<compile_context>
chip_gen: v7x
topology: tpu7x:2x2x1
jax: 0.10.2.dev20260603
libtpu: 0.0.44.dev20260713+nightly
codegen_flags: <defaults>
</compile_context>

<pallas_src>
import jax
import jax.numpy as jnp
from jax import lax
from jax.experimental import pallas as pl
from jax.experimental.pallas import tpu as pltpu
from jax.experimental.pallas import tpu_sc as plsc

_N = 10000
_D = 128
_E = 320000
_CHUNK = 128
_NCHUNK = _E // _CHUNK
_NBUF = 3
_NSUB = 16
_ROWS_PER_TILE = 624
_TAIL_BASE = _NSUB * _ROWS_PER_TILE
_TAIL = _N - _TAIL_BASE
_COPIES = [(0, 128), (128, 128), (256, 128), (384, 128), (512, 112)]


def _sc_body(x_hbm, src0, dst0, src1, dst1, h0_hbm, h1_hbm,
             idx_src, idx_dst, rows, acc, lsrc_sem, ldst_sem, g_sem):
    c = lax.axis_index("c")
    s = lax.axis_index("s")

    def xfer(src_ref, dst_ref, base):
        pltpu.sync_copy(src_ref.at[pl.ds(base, _ROWS_PER_TILE)],
                        dst_ref.at[pl.ds(base, _ROWS_PER_TILE)])

        @pl.when(s == _NSUB - 1)
        def _():
            pltpu.sync_copy(src_ref.at[pl.ds(_TAIL_BASE, _TAIL)],
                            dst_ref.at[pl.ds(_TAIL_BASE, _TAIL)])

    def run(src1d, dst1d, out_hbm):
        base = s * _ROWS_PER_TILE
        xfer(x_hbm, acc, base)
        plsc.subcore_barrier()

        def pred(k):
            return k * _NSUB + s < _NCHUNK

        def eoff(k):
            return (k * _NSUB + s) * _CHUNK

        def lsrc(k, b):
            return pltpu.make_async_copy(
                src1d.at[pl.ds(eoff(k), _CHUNK)], idx_src[b], lsrc_sem[b])

        def ldst(k, b):
            return pltpu.make_async_copy(
                dst1d.at[pl.ds(eoff(k), _CHUNK)], idx_dst[b], ldst_sem[b])

        def gath(b):
            return pltpu.make_async_copy(x_hbm.at[idx_src[b]], rows[b],
                                         g_sem[b])

        for b in range(_NBUF):
            @pl.when(pred(b))
            def _():
                lsrc(b, b).start()
                ldst(b, b).start()
        for b in range(_NBUF):
            @pl.when(pred(b))
            def _():
                lsrc(b, b).wait()
                gath(b).start()

        def body(i, carry):
            for b in range(_NBUF):
                k = _NBUF * i + b

                @pl.when(pred(k))
                def _():
                    gath(b).wait()

                    @pl.when(pred(k + _NBUF))
                    def _():
                        lsrc(k + _NBUF, b).start()

                    ldst(k, b).wait()
                    pltpu.sync_copy(rows[b], acc.at[idx_dst[b]], add=True)

                    @pl.when(pred(k + _NBUF))
                    def _():
                        ldst(k + _NBUF, b).start()
                        lsrc(k + _NBUF, b).wait()
                        gath(b).start()

            return carry

        niter = (_NCHUNK // _NSUB + 1 + _NBUF) // _NBUF
        lax.fori_loop(0, niter, body, 0)
        plsc.subcore_barrier()

        xfer(acc, out_hbm, base)

    @pl.when(c == 0)
    def _():
        run(src0, dst0, h0_hbm)

    @pl.when(c == 1)
    def _():
        run(src1, dst1, h1_hbm)


@jax.jit
def _sc_segment(x, src0, dst0, src1, dst1):
    mesh = plsc.VectorSubcoreMesh(core_axis_name="c", subcore_axis_name="s")
    f = pl.kernel(
        _sc_body,
        out_type=(
            jax.ShapeDtypeStruct((_N, _D), jnp.float32),
            jax.ShapeDtypeStruct((_N, _D), jnp.float32),
        ),
        mesh=mesh,
        scratch_types=[
            [pltpu.VMEM((_CHUNK,), jnp.int32) for _ in range(_NBUF)],
            [pltpu.VMEM((_CHUNK,), jnp.int32) for _ in range(_NBUF)],
            [pltpu.VMEM((_CHUNK, _D), jnp.float32) for _ in range(_NBUF)],
            pltpu.VMEM_SHARED((_N, _D), jnp.float32),
            [pltpu.SemaphoreType.DMA for _ in range(_NBUF)],
            [pltpu.SemaphoreType.DMA for _ in range(_NBUF)],
            [pltpu.SemaphoreType.DMA for _ in range(_NBUF)],
        ],
    )
    return f(x, src0, dst0, src1, dst1)


def _mlp_body(h0, h1, W10, b10, g0, be0, W11, b11, g1, be1, W2cat, b2sum,
              out):
    def mlp1(h_ref, W1, b1, g, be):
        t = jnp.dot(h_ref[...], W1[...], preferred_element_type=jnp.float32,
                    precision=lax.Precision.DEFAULT)
        t = t + b1[...]
        m = jnp.mean(t, axis=0, keepdims=True)
        ct = t - m
        v = jnp.mean(ct * ct, axis=0, keepdims=True)
        n = ct * lax.rsqrt(v + 1e-5) * g[...] + be[...]
        return jnp.maximum(n, 0.0)

    r = jnp.concatenate((mlp1(h0, W10, b10, g0, be0),
                         mlp1(h1, W11, b11, g1, be1)), axis=1)
    out[...] = (jnp.dot(r, W2cat[...], preferred_element_type=jnp.float32,
                        precision=lax.Precision.DEFAULT)
                + b2sum[...])


@jax.jit
def _mlp(h0, h1, *params):
    return pl.pallas_call(
        _mlp_body,
        out_shape=jax.ShapeDtypeStruct((_N, _D), jnp.float32),
    )(h0, h1, *params)


def kernel(x, edge_index_e0, edge_index_e1,
           W1_e0, b1_e0, gamma_e0, beta_e0, W2_e0, b2_e0,
           W1_e1, b1_e1, gamma_e1, beta_e1, W2_e1, b2_e1):
    h0, h1 = _sc_segment(x, edge_index_e0[0], edge_index_e0[1],
                         edge_index_e1[0], edge_index_e1[1])

    p2 = lambda a: a.reshape(1, _D)
    W2cat = jnp.concatenate((W2_e0, W2_e1), axis=0)
    b2sum = p2(b2_e0 + b2_e1)
    return _mlp(h0, h1,
                W1_e0, p2(b1_e0), p2(gamma_e0), p2(beta_e0),
                W1_e1, p2(b1_e1), p2(gamma_e1), p2(beta_e1),
                W2cat, b2sum)

# --- scband reference (transcript-rebuilt; emitter-appended) ---
"""Pipeline reference for scband-hetero-ginconv-7086696038633 (READ-ONLY COPY).

The authoritative reference and input builder live on the scoring server;
editing this copy changes nothing except your own understanding.
"""

import jax, jax.numpy as jnp
import numpy as np

N = 10000
D = 128
E = 320000

def _init_params(key):
    ks = jax.random.split(key, 12)
    p = {}
    for i, e in enumerate(['e0', 'e1']):
        base = i * 6
        p['W1_' + e] = jax.random.normal(ks[base + 0], (D, D), jnp.float32) / np.sqrt(D)
        p['b1_' + e] = jnp.zeros((D,), jnp.float32)
        p['gamma_' + e] = jnp.ones((D,), jnp.float32)
        p['beta_' + e] = jnp.zeros((D,), jnp.float32)
        p['W2_' + e] = jax.random.normal(ks[base + 4], (D, D), jnp.float32) / np.sqrt(D)
        p['b2_' + e] = jnp.zeros((D,), jnp.float32)
    return p

def setup_inputs(seed: int = 0) -> dict:
    key = jax.random.key(seed)
    k0, k1, k2, kp = jax.random.split(key, 4)
    inp = {
        'x': jax.random.normal(k0, (N, D), jnp.float32),
        'edge_index_e0': jax.random.randint(k1, (2, E), 0, N, jnp.int32),
        'edge_index_e1': jax.random.randint(k2, (2, E), 0, N, jnp.int32),
    }
    inp.update(_init_params(kp))
    return inp

def _gin(x, ei, W1, b1, g, bta, W2, b2):
    # GINConv with eps=0: h_i = MLP((1+eps)*x_i + sum_{j in N(i)} x_j)
    src = ei[0]
    dst = ei[1]
    agg = jax.ops.segment_sum(x[src], dst, num_segments=x.shape[0])
    h = x + agg
    # MLP: Linear -> BatchNorm1d (training-mode batch stats) -> ReLU -> Linear
    h = h @ W1 + b1
    mean = jnp.mean(h, axis=0)
    var = jnp.var(h, axis=0)
    h = (h - mean) / jnp.sqrt(var + 1e-5) * g + bta
    h = jax.nn.relu(h)
    return h @ W2 + b2

def reference(x, edge_index_e0, edge_index_e1,
              W1_e0, b1_e0, gamma_e0, beta_e0, W2_e0, b2_e0,
              W1_e1, b1_e1, gamma_e1, beta_e1, W2_e1, b2_e1):
    # HeteroConv with aggr='sum': run one GINConv per edge type, sum results per dst node type
    out0 = _gin(x, edge_index_e0, W1_e0, b1_e0, gamma_e0, beta_e0, W2_e0, b2_e0)
    out1 = _gin(x, edge_index_e1, W1_e1, b1_e1, gamma_e1, beta_e1, W2_e1, b2_e1)
    return out0 + out1

if __name__ == "__main__":
    import jax
    _d = setup_inputs()
    print(jax.jit(kernel)(*tuple(_d.values())))

</pallas_src>

<mosaic_0001>
#map = affine_map<(d0, d1) -> (0, 0)>
#map1 = affine_map<(d0, d1) -> (0)>
module attributes {stable_mosaic.version = 14 : i64} {
  func.func @_sc_body(%arg0: i32, %arg1: i32, %arg2: memref<10000x128xf32, #tpu.memory_space<hbm>>, %arg3: memref<320000xi32, #tpu.memory_space<hbm>>, %arg4: memref<320000xi32, #tpu.memory_space<hbm>>, %arg5: memref<320000xi32, #tpu.memory_space<hbm>>, %arg6: memref<320000xi32, #tpu.memory_space<hbm>>, %arg7: memref<10000x128xf32, #tpu.memory_space<hbm>>, %arg8: memref<10000x128xf32, #tpu.memory_space<hbm>>, %arg9: memref<128xi32, #tpu.memory_space<vmem>>, %arg10: memref<128xi32, #tpu.memory_space<vmem>>, %arg11: memref<128xi32, #tpu.memory_space<vmem>>, %arg12: memref<128xi32, #tpu.memory_space<vmem>>, %arg13: memref<128xi32, #tpu.memory_space<vmem>>, %arg14: memref<128xi32, #tpu.memory_space<vmem>>, %arg15: memref<128x128xf32, #tpu.memory_space<vmem>>, %arg16: memref<128x128xf32, #tpu.memory_space<vmem>>, %arg17: memref<128x128xf32, #tpu.memory_space<vmem>>, %arg18: memref<10000x128xf32, #tpu.memory_space<vmem_shared>>, %arg19: memref<!tpu.dma_semaphore, #tpu.memory_space<semaphore_mem>>, %arg20: memref<!tpu.dma_semaphore, #tpu.memory_space<semaphore_mem>>, %arg21: memref<!tpu.dma_semaphore, #tpu.memory_space<semaphore_mem>>, %arg22: memref<!tpu.dma_semaphore, #tpu.memory_space<semaphore_mem>>, %arg23: memref<!tpu.dma_semaphore, #tpu.memory_space<semaphore_mem>>, %arg24: memref<!tpu.dma_semaphore, #tpu.memory_space<semaphore_mem>>, %arg25: memref<!tpu.dma_semaphore, #tpu.memory_space<semaphore_mem>>, %arg26: memref<!tpu.dma_semaphore, #tpu.memory_space<semaphore_mem>>, %arg27: memref<!tpu.dma_semaphore, #tpu.memory_space<semaphore_mem>>) attributes {dimension_semantics = [#tpu.dimension_semantics<core_parallel>, #tpu.dimension_semantics<subcore_parallel>], iteration_bounds = array<i64: 2, 16>, scalar_prefetch = 0 : i64, scratch_operands = 19 : i64, tpu.core_type = #tpu.core_type<sc_vector_subcore>, window_params = [{transform_indices = #map}, {transform_indices = #map1}, {transform_indices = #map1}, {transform_indices = #map1}, {transform_indices = #map1}, {transform_indices = #map}, {transform_indices = #map}]} {
    %eq3A = arith.constant 0 : i32
    %eq3A_0 = arith.cmpi eq, %arg0, %eq3A : i32
    %convert_element_type3A = arith.extui %eq3A_0 : i1 to i32
    %cond3A = arith.constant 0 : i32
    %cond3A_1 = arith.cmpi ne, %convert_element_type3A, %cond3A : i32
    scf.if %cond3A_1 {
      %mul3A = arith.constant 624 : i32
      %mul3A_7 = arith.muli %arg1, %mul3A : i32
      "tpu.region"() ({
        %run_scoped3A = tpu.sem_alloc : memref<!tpu.dma_semaphore, #tpu.memory_space<semaphore_mem>>
        %dma_start3A = arith.constant 0 : i32
        %dma_start3A_64 = tpu.memref_slice %arg18[%mul3A_7, %dma_start3A] : memref<10000x128xf32, #tpu.memory_space<vmem_shared>> -> memref<624x128xf32, #tpu.memory_space<vmem_shared>>
        %dma_start3A_65 = arith.constant 0 : i32
        %dma_start3A_66 = tpu.memref_slice %arg2[%mul3A_7, %dma_start3A_65] : memref<10000x128xf32, #tpu.memory_space<hbm>> -> memref<624x128xf32, #tpu.memory_space<hbm>>
        tpu.enqueue_dma source(%dma_start3A_66 : memref<624x128xf32, #tpu.memory_space<hbm>>) target(%dma_start3A_64 : memref<624x128xf32, #tpu.memory_space<vmem_shared>>) target_semaphore(%run_scoped3A : memref<!tpu.dma_semaphore, #tpu.memory_space<semaphore_mem>>)
        %dma_wait3A = arith.constant 0 : i32
        %dma_wait3A_67 = tpu.memref_slice %arg18[%mul3A_7, %dma_wait3A] : memref<10000x128xf32, #tpu.memory_space<vmem_shared>> -> memref<624x128xf32, #tpu.memory_space<vmem_shared>>
        %dma_wait3A_68 = arith.constant 0 : i32
        %dma_wait3A_69 = tpu.memref_slice %arg2[%mul3A_7, %dma_wait3A_68] : memref<10000x128xf32, #tpu.memory_space<hbm>> -> memref<624x128xf32, #tpu.memory_space<hbm>>
        tpu.wait_dma2 semaphore(%run_scoped3A : memref<!tpu.dma_semaphore, #tpu.memory_space<semaphore_mem>>) src(%dma_wait3A_69 : memref<624x128xf32, #tpu.memory_space<hbm>>) dst(%dma_wait3A_67 : memref<624x128xf32, #tpu.memory_space<vmem_shared>>)
        tpu.yield
      }) : () -> ()
      %eq3A_8 = arith.constant 15 : i32
      %eq3A_9 = arith.cmpi eq, %arg1, %eq3A_8 : i32
      %convert_element_type3A_10 = arith.extui %eq3A_9 : i1 to i32
      %cond3A_11 = arith.constant 0 : i32
      %cond3A_12 = arith.cmpi ne, %convert_element_type3A_10, %cond3A_11 : i32
      scf.if %cond3A_12 {
        "tpu.region"() ({
          %run_scoped3A = tpu.sem_alloc : memref<!tpu.dma_semaphore, #tpu.memory_space<semaphore_mem>>
          %dma_start3A = arith.constant 9984 : i32
          %dma_start3A_64 = arith.constant 0 : i32
          %dma_start3A_65 = tpu.memref_slice %arg18[%dma_start3A, %dma_start3A_64] : memref<10000x128xf32, #tpu.memory_space<vmem_shared>> -> memref<16x128xf32, #tpu.memory_space<vmem_shared>>
          %dma_start3A_66 = arith.constant 9984 : i32
          %dma_start3A_67 = arith.constant 0 : i32
          %dma_start3A_68 = tpu.memref_slice %arg2[%dma_start3A_66, %dma_start3A_67] : memref<10000x128xf32, #tpu.memory_space<hbm>> -> memref<16x128xf32, #tpu.memory_space<hbm>>
          tpu.enqueue_dma source(%dma_start3A_68 : memref<16x128xf32, #tpu.memory_space<hbm>>) target(%dma_start3A_65 : memref<16x128xf32, #tpu.memory_space<vmem_shared>>) target_semaphore(%run_scoped3A : memref<!tpu.dma_semaphore, #tpu.memory_space<semaphore_mem>>)
          %dma_wait3A = arith.constant 9984 : i32
          %dma_wait3A_69 = arith.constant 0 : i32
          %dma_wait3A_70 = tpu.memref_slice %arg18[%dma_wait3A, %dma_wait3A_69] : memref<10000x128xf32, #tpu.memory_space<vmem_shared>> -> memref<16x128xf32, #tpu.memory_space<vmem_shared>>
          %dma_wait3A_71 = arith.constant 9984 : i32
          %dma_wait3A_72 = arith.constant 0 : i32
          %dma_wait3A_73 = tpu.memref_slice %arg2[%dma_wait3A_71, %dma_wait3A_72] : memref<10000x128xf32, #tpu.memory_space<hbm>> -> memref<16x128xf32, #tpu.memory_space<hbm>>
          tpu.wait_dma2 semaphore(%run_scoped3A : memref<!tpu.dma_semaphore, #tpu.memory_space<semaphore_mem>>) src(%dma_wait3A_73 : memref<16x128xf32, #tpu.memory_space<hbm>>) dst(%dma_wait3A_70 : memref<16x128xf32, #tpu.memory_space<vmem_shared>>)
          tpu.yield
        }) : () -> ()
      } else {
      }
      %barrier3A = arith.constant 0 : index
      tpu.barrier barrier_id(%barrier3A)
      %add3A = arith.constant 0 : i32
      %add3A_13 = arith.addi %add3A, %arg1 : i32
      %lt3A = arith.constant 2500 : i32
      %lt3A_14 = arith.cmpi slt, %add3A_13, %lt3A : i32
      %convert_element_type3A_15 = arith.extui %lt3A_14 : i1 to i32
      %cond3A_16 = arith.constant 0 : i32
      %cond3A_17 = arith.cmpi ne, %convert_element_type3A_15, %cond3A_16 : i32
      scf.if %cond3A_17 {
        %add3A_64 = arith.constant 0 : i32
        %add3A_65 = arith.addi %add3A_64, %arg1 : i32
        %mul3A_66 = arith.constant 128 : i32
        %mul3A_67 = arith.muli %add3A_65, %mul3A_66 : i32
        %dma_start3A = tpu.memref_slice %arg3[%mul3A_67] : memref<320000xi32, #tpu.memory_space<hbm>> -> memref<128xi32, #tpu.memory_space<hbm>>
        %dma_start3A_68 = tpu.memref_slice %arg3[%mul3A_67] : memref<320000xi32, #tpu.memory_space<hbm>> -> memref<128xi32, #tpu.memory_space<hbm>>
        tpu.enqueue_dma source(%dma_start3A_68 : memref<128xi32, #tpu.memory_space<hbm>>) target(%arg9 : memref<128xi32, #tpu.memory_space<vmem>>) target_semaphore(%arg19 : memref<!tpu.dma_semaphore, #tpu.memory_space<semaphore_mem>>)
        %add3A_69 = arith.constant 0 : i32
        %add3A_70 = arith.addi %add3A_69, %arg1 : i32
        %mul3A_71 = arith.constant 128 : i32
        %mul3A_72 = arith.muli %add3A_70, %mul3A_71 : i32
        %dma_start3A_73 = tpu.memref_slice %arg4[%mul3A_72] : memref<320000xi32, #tpu.memory_space<hbm>> -> memref<128xi32, #tpu.memory_space<hbm>>
        %dma_start3A_74 = tpu.memref_slice %arg4[%mul3A_72] : memref<320000xi32, #tpu.memory_space<hbm>> -> memref<128xi32, #tpu.memory_space<hbm>>
        tpu.enqueue_dma source(%dma_start3A_74 : memref<128xi32, #tpu.memory_space<hbm>>) target(%arg12 : memref<128xi32, #tpu.memory_space<vmem>>) target_semaphore(%arg22 : memref<!tpu.dma_semaphore, #tpu.memory_space<semaphore_mem>>)
      } else {
      }
      %add3A_18 = arith.constant 16 : i32
      %add3A_19 = arith.addi %add3A_18, %arg1 : i32
      %lt3A_20 = arith.constant 2500 : i32
      %lt3A_21 = arith.cmpi slt, %add3A_19, %lt3A_20 : i32
      %convert_element_type3A_22 = arith.extui %lt3A_21 : i1 to i32
      %cond3A_23 = arith.constant 0 : i32
      %cond3A_24 = arith.cmpi ne, %convert_element_type3A_22, %cond3A_23 : i32
      scf.if %cond3A_24 {
        %add3A_64 = arith.constant 16 : i32
        %add3A_65 = arith.addi %add3A_64, %arg1 : i32
        %mul3A_66 = arith.constant 128 : i32
        %mul3A_67 = arith.muli %add3A_65, %mul3A_66 : i32
        %dma_start3A = tpu.memref_slice %arg3[%mul3A_67] : memref<320000xi32, #tpu.memory_space<hbm>> -> memref<128xi32, #tpu.memory_space<hbm>>
        %dma_start3A_68 = tpu.memref_slice %arg3[%mul3A_67] : memref<320000xi32, #tpu.memory_space<hbm>> -> memref<128xi32, #tpu.memory_space<hbm>>
        tpu.enqueue_dma source(%dma_start3A_68 : memref<128xi32, #tpu.memory_space<hbm>>) target(%arg10 : memref<128xi32, #tpu.memory_space<vmem>>) target_semaphore(%arg20 : memref<!tpu.dma_semaphore, #tpu.memory_space<semaphore_mem>>)
        %add3A_69 = arith.constant 16 : i32
        %add3A_70 = arith.addi %add3A_69, %arg1 : i32
        %mul3A_71 = arith.constant 128 : i32
        %mul3A_72 = arith.muli %add3A_70, %mul3A_71 : i32
        %dma_start3A_73 = tpu.memref_slice %arg4[%mul3A_72] : memref<320000xi32, #tpu.memory_space<hbm>> -> memref<128xi32, #tpu.memory_space<hbm>>
        %dma_start3A_74 = tpu.memref_slice %arg4[%mul3A_72] : memref<320000xi32, #tpu.memory_space<hbm>> -> memref<128xi32, #tpu.memory_space<hbm>>
        tpu.enqueue_dma source(%dma_start3A_74 : memref<128xi32, #tpu.memory_space<hbm>>) target(%arg13 : memref<128xi32, #tpu.memory_space<vmem>>) target_semaphore(%arg23 : memref<!tpu.dma_semaphore, #tpu.memory_space<semaphore_mem>>)
      } else {
      }
      %add3A_25 = arith.constant 32 : i32
      %add3A_26 = arith.addi %add3A_25, %arg1 : i32
      %lt3A_27 = arith.constant 2500 : i32
      %lt3A_28 = arith.cmpi slt, %add3A_26, %lt3A_27 : i32
      %convert_element_type3A_29 = arith.extui %lt3A_28 : i1 to i32
      %cond3A_30 = arith.constant 0 : i32
      %cond3A_31 = arith.cmpi ne, %convert_element_type3A_29, %cond3A_30 : i32
      scf.if %cond3A_31 {
        %add3A_64 = arith.constant 32 : i32
        %add3A_65 = arith.addi %add3A_64, %arg1 : i32
        %mul3A_66 = arith.constant 128 : i32
        %mul3A_67 = arith.muli %add3A_65, %mul3A_66 : i32
        %dma_start3A = tpu.memref_slice %arg3[%mul3A_67] : memref<320000xi32, #tpu.memory_space<hbm>> -> memref<128xi32, #tpu.memory_space<hbm>>
        %dma_start3A_68 = tpu.memref_slice %arg3[%mul3A_67] : memref<320000xi32, #tpu.memory_space<hbm>> -> memref<128xi32, #tpu.memory_space<hbm>>
        tpu.enqueue_dma source(%dma_start3A_68 : memref<128xi32, #tpu.memory_space<hbm>>) target(%arg11 : memref<128xi32, #tpu.memory_space<vmem>>) target_semaphore(%arg21 : memref<!tpu.dma_semaphore, #tpu.memory_space<semaphore_mem>>)
        %add3A_69 = arith.constant 32 : i32
        %add3A_70 = arith.addi %add3A_69, %arg1 : i32
        %mul3A_71 = arith.constant 128 : i32
        %mul3A_72 = arith.muli %add3A_70, %mul3A_71 : i32
        %dma_start3A_73 = tpu.memref_slice %arg4[%mul3A_72] : memref<320000xi32, #tpu.memory_space<hbm>> -> memref<128xi32, #tpu.memory_space<hbm>>
        %dma_start3A_74 = tpu.memref_slice %arg4[%mul3A_72] : memref<320000xi32, #tpu.memory_space<hbm>> -> memref<128xi32, #tpu.memory_space<hbm>>
        tpu.enqueue_dma source(%dma_start3A_74 : memref<128xi32, #tpu.memory_space<hbm>>) target(%arg14 : memref<128xi32, #tpu.memory_space<vmem>>) target_semaphore(%arg24 : memref<!tpu.dma_semaphore, #tpu.memory_space<semaphore_mem>>)
      } else {
      }
      %add3A_32 = arith.constant 0 : i32
      %add3A_33 = arith.addi %add3A_32, %arg1 : i32
      %lt3A_34 = arith.constant 2500 : i32
      %lt3A_35 = arith.cmpi slt, %add3A_33, %lt3A_34 : i32
      %convert_element_type3A_36 = arith.extui %lt3A_35 : i1 to i32
      %cond3A_37 = arith.constant 0 : i32
      %cond3A_38 = arith.cmpi ne, %convert_element_type3A_36, %cond3A_37 : i32
      scf.if %cond3A_38 {
        %add3A_64 = arith.constant 0 : i32
        %add3A_65 = arith.addi %add3A_64, %arg1 : i32
        %mul3A_66 = arith.constant 128 : i32
        %mul3A_67 = arith.muli %add3A_65, %mul3A_66 : i32
        %dma_wait3A = tpu.memref_slice %arg3[%mul3A_67] : memref<320000xi32, #tpu.memory_space<hbm>> -> memref<128xi32, #tpu.memory_space<hbm>>
        %dma_wait3A_68 = tpu.memref_slice %arg3[%mul3A_67] : memref<320000xi32, #tpu.memory_space<hbm>> -> memref<128xi32, #tpu.memory_space<hbm>>
        tpu.wait_dma2 semaphore(%arg19 : memref<!tpu.dma_semaphore, #tpu.memory_space<semaphore_mem>>) src(%dma_wait3A_68 : memref<128xi32, #tpu.memory_space<hbm>>) dst(%arg9 : memref<128xi32, #tpu.memory_space<vmem>>)
        %dma_start3A = arith.constant 0 : i32
        %dma_start3A_69 = arith.constant 0 : i32
        %dma_start3A_70 = tpu.memref_slice %arg2[%dma_start3A, %dma_start3A_69] : memref<10000x128xf32, #tpu.memory_space<hbm>> -> memref<10000x128xf32, #tpu.memory_space<hbm>>
        tpu.enqueue_indirect_dma source(%dma_start3A_70 : memref<10000x128xf32, #tpu.memory_space<hbm>>) target(%arg15 : memref<128x128xf32, #tpu.memory_space<vmem>>) offsets(%arg9 : memref<128xi32, #tpu.memory_space<vmem>>) semaphore(%arg25 : memref<!tpu.dma_semaphore, #tpu.memory_space<semaphore_mem>>)
      } else {
      }
      %add3A_39 = arith.constant 16 : i32
      %add3A_40 = arith.addi %add3A_39, %arg1 : i32
      %lt3A_41 = arith.constant 2500 : i32
      %lt3A_42 = arith.cmpi slt, %add3A_40, %lt3A_41 : i32
      %convert_element_type3A_43 = arith.extui %lt3A_42 : i1 to i32
      %cond3A_44 = arith.constant 0 : i32
      %cond3A_45 = arith.cmpi ne, %convert_element_type3A_43, %cond3A_44 : i32
      scf.if %cond3A_45 {
        %add3A_64 = arith.constant 16 : i32
        %add3A_65 = arith.addi %add3A_64, %arg1 : i32
        %mul3A_66 = arith.constant 128 : i32
        %mul3A_67 = arith.muli %add3A_65, %mul3A_66 : i32
        %dma_wait3A = tpu.memref_slice %arg3[%mul3A_67] : memref<320000xi32, #tpu.memory_space<hbm>> -> memref<128xi32, #tpu.memory_space<hbm>>
        %dma_wait3A_68 = tpu.memref_slice %arg3[%mul3A_67] : memref<320000xi32, #tpu.memory_space<hbm>> -> memref<128xi32, #tpu.memory_space<hbm>>
        tpu.wait_dma2 semaphore(%arg20 : memref<!tpu.dma_semaphore, #tpu.memory_space<semaphore_mem>>) src(%dma_wait3A_68 : memref<128xi32, #tpu.memory_space<hbm>>) dst(%arg10 : memref<128xi32, #tpu.memory_space<vmem>>)
        %dma_start3A = arith.constant 0 : i32
        %dma_start3A_69 = arith.constant 0 : i32
        %dma_start3A_70 = tpu.memref_slice %arg2[%dma_start3A, %dma_start3A_69] : memref<10000x128xf32, #tpu.memory_space<hbm>> -> memref<10000x128xf32, #tpu.memory_space<hbm>>
        tpu.enqueue_indirect_dma source(%dma_start3A_70 : memref<10000x128xf32, #tpu.memory_space<hbm>>) target(%arg16 : memref<128x128xf32, #tpu.memory_space<vmem>>) offsets(%arg10 : memref<128xi32, #tpu.memory_space<vmem>>) semaphore(%arg26 : memref<!tpu.dma_semaphore, #tpu.memory_space<semaphore_mem>>)
      } else {
      }
      %add3A_46 = arith.constant 32 : i32
      %add3A_47 = arith.addi %add3A_46, %arg1 : i32
      %lt3A_48 = arith.constant 2500 : i32
      %lt3A_49 = arith.cmpi slt, %add3A_47, %lt3A_48 : i32
      %convert_element_type3A_50 = arith.extui %lt3A_49 : i1 to i32
      %cond3A_51 = arith.constant 0 : i32
      %cond3A_52 = arith.cmpi ne, %convert_element_type3A_50, %cond3A_51 : i32
      scf.if %cond3A_52 {
        %add3A_64 = arith.constant 32 : i32
        %add3A_65 = arith.addi %add3A_64, %arg1 : i32
        %mul3A_66 = arith.constant 128 : i32
        %mul3A_67 = arith.muli %add3A_65, %mul3A_66 : i32
        %dma_wait3A = tpu.memref_slice %arg3[%mul3A_67] : memref<320000xi32, #tpu.memory_space<hbm>> -> memref<128xi32, #tpu.memory_space<hbm>>
        %dma_wait3A_68 = tpu.memref_slice %arg3[%mul3A_67] : memref<320000xi32, #tpu.memory_space<hbm>> -> memref<128xi32, #tpu.memory_space<hbm>>
        tpu.wait_dma2 semaphore(%arg21 : memref<!tpu.dma_semaphore, #tpu.memory_space<semaphore_mem>>) src(%dma_wait3A_68 : memref<128xi32, #tpu.memory_space<hbm>>) dst(%arg11 : memref<128xi32, #tpu.memory_space<vmem>>)
        %dma_start3A = arith.constant 0 : i32
        %dma_start3A_69 = arith.constant 0 : i32
        %dma_start3A_70 = tpu.memref_slice %arg2[%dma_start3A, %dma_start3A_69] : memref<10000x128xf32, #tpu.memory_space<hbm>> -> memref<10000x128xf32, #tpu.memory_space<hbm>>
        tpu.enqueue_indirect_dma source(%dma_start3A_70 : memref<10000x128xf32, #tpu.memory_space<hbm>>) target(%arg17 : memref<128x128xf32, #tpu.memory_space<vmem>>) offsets(%arg11 : memref<128xi32, #tpu.memory_space<vmem>>) semaphore(%arg27 : memref<!tpu.dma_semaphore, #tpu.memory_space<semaphore_mem>>)
      } else {
      }
      %scan3A = arith.constant 0 : i32
      %scan3A_53 = arith.constant 0 : i32
      %scan3A_54 = arith.constant 53 : i32
      %scan3A_55 = arith.addi %scan3A_53, %scan3A_54 : i32
      %scan3A_56 = arith.constant 1 : i32
      scf.for %scan3A_64 = %scan3A_53 to %scan3A_55 step %scan3A_56  : i32 {
        %mul3A_65 = arith.constant 3 : i32
        %mul3A_66 = arith.muli %mul3A_65, %scan3A_64 : i32
        %add3A_67 = arith.constant 0 : i32
        %add3A_68 = arith.addi %mul3A_66, %add3A_67 : i32
        %mul3A_69 = arith.constant 16 : i32
        %mul3A_70 = arith.muli %add3A_68, %mul3A_69 : i32
        %add3A_71 = arith.addi %mul3A_70, %arg1 : i32
        %lt3A_72 = arith.constant 2500 : i32
        %lt3A_73 = arith.cmpi slt, %add3A_71, %lt3A_72 : i32
        %convert_element_type3A_74 = arith.extui %lt3A_73 : i1 to i32
        %cond3A_75 = arith.constant 0 : i32
        %cond3A_76 = arith.cmpi ne, %convert_element_type3A_74, %cond3A_75 : i32
        scf.if %cond3A_76 {
          %dma_wait3A = arith.constant 0 : i32
          %dma_wait3A_101 = arith.constant 0 : i32
          %dma_wait3A_102 = tpu.memref_slice %arg2[%dma_wait3A, %dma_wait3A_101] : memref<10000x128xf32, #tpu.memory_space<hbm>> -> memref<10000x128xf32, #tpu.memory_space<hbm>>
          tpu.wait_indirect_dma semaphore(%arg25 : memref<!tpu.dma_semaphore, #tpu.memory_space<semaphore_mem>>) src(%dma_wait3A_102 : memref<10000x128xf32, #tpu.memory_space<hbm>>) dst(%arg15 : memref<128x128xf32, #tpu.memory_space<vmem>>)
          %add3A_103 = arith.constant 3 : i32
          %add3A_104 = arith.addi %add3A_68, %add3A_103 : i32
          %mul3A_105 = arith.constant 16 : i32
          %mul3A_106 = arith.muli %add3A_104, %mul3A_105 : i32
          %add3A_107 = arith.addi %mul3A_106, %arg1 : i32
          %lt3A_108 = arith.constant 2500 : i32
          %lt3A_109 = arith.cmpi slt, %add3A_107, %lt3A_108 : i32
          %convert_element_type3A_110 = arith.extui %lt3A_109 : i1 to i32
          %cond3A_111 = arith.constant 0 : i32
          %cond3A_112 = arith.cmpi ne, %convert_element_type3A_110, %cond3A_111 : i32
          scf.if %cond3A_112 {
            %add3A_130 = arith.constant 3 : i32
            %add3A_131 = arith.addi %add3A_68, %add3A_130 : i32
            %mul3A_132 = arith.constant 16 : i32
            %mul3A_133 = arith.muli %add3A_131, %mul3A_132 : i32
            %add3A_134 = arith.addi %mul3A_133, %arg1 : i32
            %mul3A_135 = arith.constant 128 : i32
            %mul3A_136 = arith.muli %add3A_134, %mul3A_135 : i32
            %dma_start3A = tpu.memref_slice %arg3[%mul3A_136] : memref<320000xi32, #tpu.memory_space<hbm>> -> memref<128xi32, #tpu.memory_space<hbm>>
            %dma_start3A_137 = tpu.memref_slice %arg3[%mul3A_136] : memref<320000xi32, #tpu.memory_space<hbm>> -> memref<128xi32, #tpu.memory_space<hbm>>
            tpu.enqueue_dma source(%dma_start3A_137 : memref<128xi32, #tpu.memory_space<hbm>>) target(%arg9 : memref<128xi32, #tpu.memory_space<vmem>>) target_semaphore(%arg19 : memref<!tpu.dma_semaphore, #tpu.memory_space<semaphore_mem>>)
          } else {
          }
          %mul3A_113 = arith.constant 16 : i32
          %mul3A_114 = arith.muli %add3A_68, %mul3A_113 : i32
          %add3A_115 = arith.addi %mul3A_114, %arg1 : i32
          %mul3A_116 = arith.constant 128 : i32
          %mul3A_117 = arith.muli %add3A_115, %mul3A_116 : i32
          %dma_wait3A_118 = tpu.memref_slice %arg4[%mul3A_117] : memref<320000xi32, #tpu.memory_space<hbm>> -> memref<128xi32, #tpu.memory_space<hbm>>
          %dma_wait3A_119 = tpu.memref_slice %arg4[%mul3A_117] : memref<320000xi32, #tpu.memory_space<hbm>> -> memref<128xi32, #tpu.memory_space<hbm>>
          tpu.wait_dma2 semaphore(%arg22 : memref<!tpu.dma_semaphore, #tpu.memory_space<semaphore_mem>>) src(%dma_wait3A_119 : memref<128xi32, #tpu.memory_space<hbm>>) dst(%arg12 : memref<128xi32, #tpu.memory_space<vmem>>)
          "tpu.region"() ({
            %run_scoped3A = tpu.sem_alloc : memref<!tpu.dma_semaphore, #tpu.memory_space<semaphore_mem>>
            %dma_start3A = arith.constant 0 : i32
            %dma_start3A_130 = arith.constant 0 : i32
            %dma_start3A_131 = tpu.memref_slice %arg18[%dma_start3A, %dma_start3A_130] : memref<10000x128xf32, #tpu.memory_space<vmem_shared>> -> memref<10000x128xf32, #tpu.memory_space<vmem_shared>>
            tpu.enqueue_indirect_dma source(%arg15 : memref<128x128xf32, #tpu.memory_space<vmem>>) target(%dma_start3A_131 : memref<10000x128xf32, #tpu.memory_space<vmem_shared>>) offsets(%arg12 : memref<128xi32, #tpu.memory_space<vmem>>) semaphore(%run_scoped3A : memref<!tpu.dma_semaphore, #tpu.memory_space<semaphore_mem>>) {add = true}
            %dma_wait3A_132 = arith.constant 0 : i32
            %dma_wait3A_133 = arith.constant 0 : i32
            %dma_wait3A_134 = tpu.memref_slice %arg18[%dma_wait3A_132, %dma_wait3A_133] : memref<10000x128xf32, #tpu.memory_space<vmem_shared>> -> memref<10000x128xf32, #tpu.memory_space<vmem_shared>>
            tpu.wait_indirect_dma semaphore(%run_scoped3A : memref<!tpu.dma_semaphore, #tpu.memory_space<semaphore_mem>>) src(%arg15 : memref<128x128xf32, #tpu.memory_space<vmem>>) dst(%dma_wait3A_134 : memref<10000x128xf32, #tpu.memory_space<vmem_shared>>)
            tpu.yield
          }) : () -> ()
          %add3A_120 = arith.constant 3 : i32
          %add3A_121 = arith.addi %add3A_68, %add3A_120 : i32
          %mul3A_122 = arith.constant 16 : i32
          %mul3A_123 = arith.muli %add3A_121, %mul3A_122 : i32
          %add3A_124 = arith.addi %mul3A_123, %arg1 : i32
          %lt3A_125 = arith.constant 2500 : i32
          %lt3A_126 = arith.cmpi slt, %add3A_124, %lt3A_125 : i32
          %convert_element_type3A_127 = arith.extui %lt3A_126 : i1 to i32
          %cond3A_128 = arith.constant 0 : i32
          %cond3A_129 = arith.cmpi ne, %convert_element_type3A_127, %cond3A_128 : i32
          scf.if %cond3A_129 {
            %add3A_130 = arith.constant 3 : i32
            %add3A_131 = arith.addi %add3A_68, %add3A_130 : i32
            %mul3A_132 = arith.constant 16 : i32
            %mul3A_133 = arith.muli %add3A_131, %mul3A_132 : i32
            %add3A_134 = arith.addi %mul3A_133, %arg1 : i32
            %mul3A_135 = arith.constant 128 : i32
            %mul3A_136 = arith.muli %add3A_134, %mul3A_135 : i32
            %dma_start3A = tpu.memref_slice %arg4[%mul3A_136] : memref<320000xi32, #tpu.memory_space<hbm>> -> memref<128xi32, #tpu.memory_space<hbm>>
            %dma_start3A_137 = tpu.memref_slice %arg4[%mul3A_136] : memref<320000xi32, #tpu.memory_space<hbm>> -> memref<128xi32, #tpu.memory_space<hbm>>
            tpu.enqueue_dma source(%dma_start3A_137 : memref<128xi32, #tpu.memory_space<hbm>>) target(%arg12 : memref<128xi32, #tpu.memory_space<vmem>>) target_semaphore(%arg22 : memref<!tpu.dma_semaphore, #tpu.memory_space<semaphore_mem>>)
            %add3A_138 = arith.constant 3 : i32
            %add3A_139 = arith.addi %add3A_68, %add3A_138 : i32
            %mul3A_140 = arith.constant 16 : i32
            %mul3A_141 = arith.muli %add3A_139, %mul3A_140 : i32
            %add3A_142 = arith.addi %mul3A_141, %arg1 : i32
            %mul3A_143 = arith.constant 128 : i32
            %mul3A_144 = arith.muli %add3A_142, %mul3A_143 : i32
            %dma_wait3A_145 = tpu.memref_slice %arg3[%mul3A_144] : memref<320000xi32, #tpu.memory_space<hbm>> -> memref<128xi32, #tpu.memory_space<hbm>>
            %dma_wait3A_146 = tpu.memref_slice %arg3[%mul3A_144] : memref<320000xi32, #tpu.memory_space<hbm>> -> memref<128xi32, #tpu.memory_space<hbm>>
            tpu.wait_dma2 semaphore(%arg19 : memref<!tpu.dma_semaphore, #tpu.memory_space<semaphore_mem>>) src(%dma_wait3A_146 : memref<128xi32, #tpu.memory_space<hbm>>) dst(%arg9 : memref<128xi32, #tpu.memory_space<vmem>>)
            %dma_start3A_147 = arith.constant 0 : i32
            %dma_start3A_148 = arith.constant 0 : i32
            %dma_start3A_149 = tpu.memref_slice %arg2[%dma_start3A_147, %dma_start3A_148] : memref<10000x128xf32, #tpu.memory_space<hbm>> -> memref<10000x128xf32, #tpu.memory_space<hbm>>
            tpu.enqueue_indirect_dma source(%dma_start3A_149 : memref<10000x128xf32, #tpu.memory_space<hbm>>) target(%arg15 : memref<128x128xf32, #tpu.memory_space<vmem>>) offsets(%arg9 : memref<128xi32, #tpu.memory_space<vmem>>) semaphore(%arg25 : memref<!tpu.dma_semaphore, #tpu.memory_space<semaphore_mem>>)
          } else {
          }
        } else {
        }
        %mul3A_77 = arith.constant 3 : i32
        %mul3A_78 = arith.muli %mul3A_77, %scan3A_64 : i32
        %add3A_79 = arith.constant 1 : i32
        %add3A_80 = arith.addi %mul3A_78, %add3A_79 : i32
        %mul3A_81 = arith.constant 16 : i32
        %mul3A_82 = arith.muli %add3A_80, %mul3A_81 : i32
        %add3A_83 = arith.addi %mul3A_82, %arg1 : i32
        %lt3A_84 = arith.constant 2500 : i32
        %lt3A_85 = arith.cmpi slt, %add3A_83, %lt3A_84 : i32
        %convert_element_type3A_86 = arith.extui %lt3A_85 : i1 to i32
        %cond3A_87 = arith.constant 0 : i32
        %cond3A_88 = arith.cmpi ne, %convert_element_type3A_86, %cond3A_87 : i32
        scf.if %cond3A_88 {
          %dma_wait3A = arith.constant 0 : i32
          %dma_wait3A_101 = arith.constant 0 : i32
          %dma_wait3A_102 = tpu.memref_slice %arg2[%dma_wait3A, %dma_wait3A_101] : memref<10000x128xf32, #tpu.memory_space<hbm>> -> memref<10000x128xf32, #tpu.memory_space<hbm>>
          tpu.wait_indirect_dma semaphore(%arg26 : memref<!tpu.dma_semaphore, #tpu.memory_space<semaphore_mem>>) src(%dma_wait3A_102 : memref<10000x128xf32, #tpu.memory_space<hbm>>) dst(%arg16 : memref<128x128xf32, #tpu.memory_space<vmem>>)
          %add3A_103 = arith.constant 3 : i32
          %add3A_104 = arith.addi %add3A_80, %add3A_103 : i32
          %mul3A_105 = arith.constant 16 : i32
          %mul3A_106 = arith.muli %add3A_104, %mul3A_105 : i32
          %add3A_107 = arith.addi %mul3A_106, %arg1 : i32
          %lt3A_108 = arith.constant 2500 : i32
          %lt3A_109 = arith.cmpi slt, %add3A_107, %lt3A_108 : i32
          %convert_element_type3A_110 = arith.extui %lt3A_109 : i1 to i32
          %cond3A_111 = arith.constant 0 : i32
          %cond3A_112 = arith.cmpi ne, %convert_element_type3A_110, %cond3A_111 : i32
          scf.if %cond3A_112 {
            %add3A_130 = arith.constant 3 : i32
            %add3A_131 = arith.addi %add3A_80, %add3A_130 : i32
            %mul3A_132 = arith.constant 16 : i32
            %mul3A_133 = arith.muli %add3A_131, %mul3A_132 : i32
            %add3A_134 = arith.addi %mul3A_133, %arg1 : i32
            %mul3A_135 = arith.constant 128 : i32
            %mul3A_136 = arith.muli %add3A_134, %mul3A_135 : i32
            %dma_start3A = tpu.memref_slice %arg3[%mul3A_136] : memref<320000xi32, #tpu.memory_space<hbm>> -> memref<128xi32, #tpu.memory_space<hbm>>
            %dma_start3A_137 = tpu.memref_slice %arg3[%mul3A_136] : memref<320000xi32, #tpu.memory_space<hbm>> -> memref<128xi32, #tpu.memory_space<hbm>>
            tpu.enqueue_dma source(%dma_start3A_137 : memref<128xi32, #tpu.memory_space<hbm>>) target(%arg10 : memref<128xi32, #tpu.memory_space<vmem>>) target_semaphore(%arg20 : memref<!tpu.dma_semaphore, #tpu.memory_space<semaphore_mem>>)
          } else {
          }
          %mul3A_113 = arith.constant 16 : i32
          %mul3A_114 = arith.muli %add3A_80, %mul3A_113 : i32
          %add3A_115 = arith.addi %mul3A_114, %arg1 : i32
          %mul3A_116 = arith.constant 128 : i32
          %mul3A_117 = arith.muli %add3A_115, %mul3A_116 : i32
          %dma_wait3A_118 = tpu.memref_slice %arg4[%mul3A_117] : memref<320000xi32, #tpu.memory_space<hbm>> -> memref<128xi32, #tpu.memory_space<hbm>>
          %dma_wait3A_119 = tpu.memref_slice %arg4[%mul3A_117] : memref<320000xi32, #tpu.memory_space<hbm>> -> memref<128xi32, #tpu.memory_space<hbm>>
          tpu.wait_dma2 semaphore(%arg23 : memref<!tpu.dma_semaphore, #tpu.memory_space<semaphore_mem>>) src(%dma_wait3A_119 : memref<128xi32, #tpu.memory_space<hbm>>) dst(%arg13 : memref<128xi32, #tpu.memory_space<vmem>>)
          "tpu.region"() ({
            %run_scoped3A = tpu.sem_alloc : memref<!tpu.dma_semaphore, #tpu.memory_space<semaphore_mem>>
            %dma_start3A = arith.constant 0 : i32
            %dma_start3A_130 = arith.constant 0 : i32
            %dma_start3A_131 = tpu.memref_slice %arg18[%dma_start3A, %dma_start3A_130] : memref<10000x128xf32, #tpu.memory_space<vmem_shared>> -> memref<10000x128xf32, #tpu.memory_space<vmem_shared>>
            tpu.enqueue_indirect_dma source(%arg16 : memref<128x128xf32, #tpu.memory_space<vmem>>) target(%dma_start3A_131 : memref<10000x128xf32, #tpu.memory_space<vmem_shared>>) offsets(%arg13 : memref<128xi32, #tpu.memory_space<vmem>>) semaphore(%run_scoped3A : memref<!tpu.dma_semaphore, #tpu.memory_space<semaphore_mem>>) {add = true}
            %dma_wait3A_132 = arith.constant 0 : i32
            %dma_wait3A_133 = arith.constant 0 : i32
            %dma_wait3A_134 = tpu.memref_slice %arg18[%dma_wait3A_132, %dma_wait3A_133] : memref<10000x128xf32, #tpu.memory_space<vmem_shared>> -> memref<10000x128xf32, #tpu.memory_space<vmem_shared>>
            tpu.wait_indirect_dma semaphore(%run_scoped3A : memref<!tpu.dma_semaphore, #tpu.memory_space<semaphore_mem>>) src(%arg16 : memref<128x128xf32, #tpu.memory_space<vmem>>) dst(%dma_wait3A_134 : memref<10000x128xf32, #tpu.memory_space<vmem_shared>>)
            tpu.yield
          }) : () -> ()
          %add3A_120 = arith.constant 3 : i32
          %add3A_121 = arith.addi %add3A_80, %add3A_120 : i32
          %mul3A_122 = arith.constant 16 : i32
          %mul3A_123 = arith.muli %add3A_121, %mul3A_122 : i32
          %add3A_124 = arith.addi %mul3A_123, %arg1 : i32
          %lt3A_125 = arith.constant 2500 : i32
          %lt3A_126 = arith.cmpi slt, %add3A_124, %lt3A_125 : i32
          %convert_element_type3A_127 = arith.extui %lt3A_126 : i1 to i32
          %cond3A_128 = arith.constant 0 : i32
          %cond3A_129 = arith.cmpi ne, %convert_element_type3A_127, %cond3A_128 : i32
          scf.if %cond3A_129 {
            %add3A_130 = arith.constant 3 : i32
            %add3A_131 = arith.addi %add3A_80, %add3A_130 : i32
            %mul3A_132 = arith.constant 16 : i32
            %mul3A_133 = arith.muli %add3A_131, %mul3A_132 : i32
            %add3A_134 = arith.addi %mul3A_133, %arg1 : i32
            %mul3A_135 = arith.constant 128 : i32
            %mul3A_136 = arith.muli %add3A_134, %mul3A_135 : i32
            %dma_start3A = tpu.memref_slice %arg4[%mul3A_136] : memref<320000xi32, #tpu.memory_space<hbm>> -> memref<128xi32, #tpu.memory_space<hbm>>
            %dma_start3A_137 = tpu.memref_slice %arg4[%mul3A_136] : memref<320000xi32, #tpu.memory_space<hbm>> -> memref<128xi32, #tpu.memory_space<hbm>>
            tpu.enqueue_dma source(%dma_start3A_137 : memref<128xi32, #tpu.memory_space<hbm>>) target(%arg13 : memref<128xi32, #tpu.memory_space<vmem>>) target_semaphore(%arg23 : memref<!tpu.dma_semaphore, #tpu.memory_space<semaphore_mem>>)
            %add3A_138 = arith.constant 3 : i32
            %add3A_139 = arith.addi %add3A_80, %add3A_138 : i32
            %mul3A_140 = arith.constant 16 : i32
            %mul3A_141 = arith.muli %add3A_139, %mul3A_140 : i32
            %add3A_142 = arith.addi %mul3A_141, %arg1 : i32
            %mul3A_143 = arith.constant 128 : i32
            %mul3A_144 = arith.muli %add3A_142, %mul3A_143 : i32
            %dma_wait3A_145 = tpu.memref_slice %arg3[%mul3A_144] : memref<320000xi32, #tpu.memory_space<hbm>> -> memref<128xi32, #tpu.memory_space<hbm>>
            %dma_wait3A_146 = tpu.memref_slice %arg3[%mul3A_144] : memref<320000xi32, #tpu.memory_space<hbm>> -> memref<128xi32, #tpu.memory_space<hbm>>
            tpu.wait_dma2 semaphore(%arg20 : memref<!tpu.dma_semaphore, #tpu.memory_space<semaphore_mem>>) src(%dma_wait3A_146 : memref<128xi32, #tpu.memory_space<hbm>>) dst(%arg10 : memref<128xi32, #tpu.memory_space<vmem>>)
            %dma_start3A_147 = arith.constant 0 : i32
            %dma_start3A_148 = arith.constant 0 : i32
            %dma_start3A_149 = tpu.memref_slice %arg2[%dma_start3A_147, %dma_start3A_148] : memref<10000x128xf32, #tpu.memory_space<hbm>> -> memref<10000x128xf32, #tpu.memory_space<hbm>>
            tpu.enqueue_indirect_dma source(%dma_start3A_149 : memref<10000x128xf32, #tpu.memory_space<hbm>>) target(%arg16 : memref<128x128xf32, #tpu.memory_space<vmem>>) offsets(%arg10 : memref<128xi32, #tpu.memory_space<vmem>>) semaphore(%arg26 : memref<!tpu.dma_semaphore, #tpu.memory_space<semaphore_mem>>)
          } else {
          }
        } else {
        }
        %mul3A_89 = arith.constant 3 : i32
        %mul3A_90 = arith.muli %mul3A_89, %scan3A_64 : i32
        %add3A_91 = arith.constant 2 : i32
        %add3A_92 = arith.addi %mul3A_90, %add3A_91 : i32
        %mul3A_93 = arith.constant 16 : i32
        %mul3A_94 = arith.muli %add3A_92, %mul3A_93 : i32
        %add3A_95 = arith.addi %mul3A_94, %arg1 : i32
        %lt3A_96 = arith.constant 2500 : i32
        %lt3A_97 = arith.cmpi slt, %add3A_95, %lt3A_96 : i32
        %convert_element_type3A_98 = arith.extui %lt3A_97 : i1 to i32
        %cond3A_99 = arith.constant 0 : i32
        %cond3A_100 = arith.cmpi ne, %convert_element_type3A_98, %cond3A_99 : i32
        scf.if %cond3A_100 {
          %dma_wait3A = arith.constant 0 : i32
          %dma_wait3A_101 = arith.constant 0 : i32
          %dma_wait3A_102 = tpu.memref_slice %arg2[%dma_wait3A, %dma_wait3A_101] : memref<10000x128xf32, #tpu.memory_space<hbm>> -> memref<10000x128xf32, #tpu.memory_space<hbm>>
          tpu.wait_indirect_dma semaphore(%arg27 : memref<!tpu.dma_semaphore, #tpu.memory_space<semaphore_mem>>) src(%dma_wait3A_102 : memref<10000x128xf32, #tpu.memory_space<hbm>>) dst(%arg17 : memref<128x128xf32, #tpu.memory_space<vmem>>)
          %add3A_103 = arith.constant 3 : i32
          %add3A_104 = arith.addi %add3A_92, %add3A_103 : i32
          %mul3A_105 = arith.constant 16 : i32
          %mul3A_106 = arith.muli %add3A_104, %mul3A_105 : i32
          %add3A_107 = arith.addi %mul3A_106, %arg1 : i32
          %lt3A_108 = arith.constant 2500 : i32
          %lt3A_109 = arith.cmpi slt, %add3A_107, %lt3A_108 : i32
          %convert_element_type3A_110 = arith.extui %lt3A_109 : i1 to i32
          %cond3A_111 = arith.constant 0 : i32
          %cond3A_112 = arith.cmpi ne, %convert_element_type3A_110, %cond3A_111 : i32
          scf.if %cond3A_112 {
            %add3A_130 = arith.constant 3 : i32
            %add3A_131 = arith.addi %add3A_92, %add3A_130 : i32
            %mul3A_132 = arith.constant 16 : i32
            %mul3A_133 = arith.muli %add3A_131, %mul3A_132 : i32
            %add3A_134 = arith.addi %mul3A_133, %arg1 : i32
            %mul3A_135 = arith.constant 128 : i32
            %mul3A_136 = arith.muli %add3A_134, %mul3A_135 : i32
            %dma_start3A = tpu.memref_slice %arg3[%mul3A_136] : memref<320000xi32, #tpu.memory_space<hbm>> -> memref<128xi32, #tpu.memory_space<hbm>>
            %dma_start3A_137 = tpu.memref_slice %arg3[%mul3A_136] : memref<320000xi32, #tpu.memory_space<hbm>> -> memref<128xi32, #tpu.memory_space<hbm>>
            tpu.enqueue_dma source(%dma_start3A_137 : memref<128xi32, #tpu.memory_space<hbm>>) target(%arg11 : memref<128xi32, #tpu.memory_space<vmem>>) target_semaphore(%arg21 : memref<!tpu.dma_semaphore, #tpu.memory_space<semaphore_mem>>)
          } else {
          }
          %mul3A_113 = arith.constant 16 : i32
          %mul3A_114 = arith.muli %add3A_92, %mul3A_113 : i32
          %add3A_115 = arith.addi %mul3A_114, %arg1 : i32
          %mul3A_116 = arith.constant 128 : i32
          %mul3A_117 = arith.muli %add3A_115, %mul3A_116 : i32
          %dma_wait3A_118 = tpu.memref_slice %arg4[%mul3A_117] : memref<320000xi32, #tpu.memory_space<hbm>> -> memref<128xi32, #tpu.memory_space<hbm>>
          %dma_wait3A_119 = tpu.memref_slice %arg4[%mul3A_117] : memref<320000xi32, #tpu.memory_space<hbm>> -> memref<128xi32, #tpu.memory_space<hbm>>
          tpu.wait_dma2 semaphore(%arg24 : memref<!tpu.dma_semaphore, #tpu.memory_space<semaphore_mem>>) src(%dma_wait3A_119 : memref<128xi32, #tpu.memory_space<hbm>>) dst(%arg14 : memref<128xi32, #tpu.memory_space<vmem>>)
          "tpu.region"() ({
            %run_scoped3A = tpu.sem_alloc : memref<!tpu.dma_semaphore, #tpu.memory_space<semaphore_mem>>
            %dma_start3A = arith.constant 0 : i32
            %dma_start3A_130 = arith.constant 0 : i32
            %dma_start3A_131 = tpu.memref_slice %arg18[%dma_start3A, %dma_start3A_130] : memref<10000x128xf32, #tpu.memory_space<vmem_shared>> -> memref<10000x128xf32, #tpu.memory_space<vmem_shared>>
            tpu.enqueue_indirect_dma source(%arg17 : memref<128x128xf32, #tpu.memory_space<vmem>>) target(%dma_start3A_131 : memref<10000x128xf32, #tpu.memory_space<vmem_shared>>) offsets(%arg14 : memref<128xi32, #tpu.memory_space<vmem>>) semaphore(%run_scoped3A : memref<!tpu.dma_semaphore, #tpu.memory_space<semaphore_mem>>) {add = true}
            %dma_wait3A_132 = arith.constant 0 : i32
            %dma_wait3A_133 = arith.constant 0 : i32
            %dma_wait3A_134 = tpu.memref_slice %arg18[%dma_wait3A_132, %dma_wait3A_133] : memref<10000x128xf32, #tpu.memory_space<vmem_shared>> -> memref<10000x128xf32, #tpu.memory_space<vmem_shared>>
            tpu.wait_indirect_dma semaphore(%run_scoped3A : memref<!tpu.dma_semaphore, #tpu.memory_space<semaphore_mem>>) src(%arg17 : memref<128x128xf32, #tpu.memory_space<vmem>>) dst(%dma_wait3A_134 : memref<10000x128xf32, #tpu.memory_space<vmem_shared>>)
            tpu.yield
          }) : () -> ()
          %add3A_120 = arith.constant 3 : i32
          %add3A_121 = arith.addi %add3A_92, %add3A_120 : i32
          %mul3A_122 = arith.constant 16 : i32
          %mul3A_123 = arith.muli %add3A_121, %mul3A_122 : i32
          %add3A_124 = arith.addi %mul3A_123, %arg1 : i32
          %lt3A_125 = arith.constant 2500 : i32
          %lt3A_126 = arith.cmpi slt, %add3A_124, %lt3A_125 : i32
          %convert_element_type3A_127 = arith.extui %lt3A_126 : i1 to i32
          %cond3A_128 = arith.constant 0 : i32
          %cond3A_129 = arith.cmpi ne, %convert_element_type3A_127, %cond3A_128 : i32
          scf.if %cond3A_129 {
            %add3A_130 = arith.constant 3 : i32
            %add3A_131 = arith.addi %add3A_92, %add3A_130 : i32
            %mul3A_132 = arith.constant 16 : i32
            %mul3A_133 = arith.muli %add3A_131, %mul3A_132 : i32
            %add3A_134 = arith.addi %mul3A_133, %arg1 : i32
            %mul3A_135 = arith.constant 128 : i32
            %mul3A_136 = arith.muli %add3A_134, %mul3A_135 : i32
            %dma_start3A = tpu.memref_slice %arg4[%mul3A_136] : memref<320000xi32, #tpu.memory_space<hbm>> -> memref<128xi32, #tpu.memory_space<hbm>>
            %dma_start3A_137 = tpu.memref_slice %arg4[%mul3A_136] : memref<320000xi32, #tpu.memory_space<hbm>> -> memref<128xi32, #tpu.memory_space<hbm>>
            tpu.enqueue_dma source(%dma_start3A_137 : memref<128xi32, #tpu.memory_space<hbm>>) target(%arg14 : memref<128xi32, #tpu.memory_space<vmem>>) target_semaphore(%arg24 : memref<!tpu.dma_semaphore, #tpu.memory_space<semaphore_mem>>)
            %add3A_138 = arith.constant 3 : i32
            %add3A_139 = arith.addi %add3A_92, %add3A_138 : i32
            %mul3A_140 = arith.constant 16 : i32
            %mul3A_141 = arith.muli %add3A_139, %mul3A_140 : i32
            %add3A_142 = arith.addi %mul3A_141, %arg1 : i32
            %mul3A_143 = arith.constant 128 : i32
            %mul3A_144 = arith.muli %add3A_142, %mul3A_143 : i32
            %dma_wait3A_145 = tpu.memref_slice %arg3[%mul3A_144] : memref<320000xi32, #tpu.memory_space<hbm>> -> memref<128xi32, #tpu.memory_space<hbm>>
            %dma_wait3A_146 = tpu.memref_slice %arg3[%mul3A_144] : memref<320000xi32, #tpu.memory_space<hbm>> -> memref<128xi32, #tpu.memory_space<hbm>>
            tpu.wait_dma2 semaphore(%arg21 : memref<!tpu.dma_semaphore, #tpu.memory_space<semaphore_mem>>) src(%dma_wait3A_146 : memref<128xi32, #tpu.memory_space<hbm>>) dst(%arg11 : memref<128xi32, #tpu.memory_space<vmem>>)
            %dma_start3A_147 = arith.constant 0 : i32
            %dma_start3A_148 = arith.constant 0 : i32
            %dma_start3A_149 = tpu.memref_slice %arg2[%dma_start3A_147, %dma_start3A_148] : memref<10000x128xf32, #tpu.memory_space<hbm>> -> memref<10000x128xf32, #tpu.memory_space<hbm>>
            tpu.enqueue_indirect_dma source(%dma_start3A_149 : memref<10000x128xf32, #tpu.memory_space<hbm>>) target(%arg17 : memref<128x128xf32, #tpu.memory_space<vmem>>) offsets(%arg11 : memref<128xi32, #tpu.memory_space<vmem>>) semaphore(%arg27 : memref<!tpu.dma_semaphore, #tpu.memory_space<semaphore_mem>>)
          } else {
          }
        } else {
        }
      }
      %scan3A_57 = arith.constant 53 : i32
      %barrier3A_58 = arith.constant 0 : index
      tpu.barrier barrier_id(%barrier3A_58)
      "tpu.region"() ({
        %run_scoped3A = tpu.sem_alloc : memref<!tpu.dma_semaphore, #tpu.memory_space<semaphore_mem>>
        %dma_start3A = arith.constant 0 : i32
        %dma_start3A_64 = tpu.memref_slice %arg7[%mul3A_7, %dma_start3A] : memref<10000x128xf32, #tpu.memory_space<hbm>> -> memref<624x128xf32, #tpu.memory_space<hbm>>
        %dma_start3A_65 = arith.constant 0 : i32
        %dma_start3A_66 = tpu.memref_slice %arg18[%mul3A_7, %dma_start3A_65] : memref<10000x128xf32, #tpu.memory_space<vmem_shared>> -> memref<624x128xf32, #tpu.memory_space<vmem_shared>>
        tpu.enqueue_dma source(%dma_start3A_66 : memref<624x128xf32, #tpu.memory_space<vmem_shared>>) target(%dma_start3A_64 : memref<624x128xf32, #tpu.memory_space<hbm>>) target_semaphore(%run_scoped3A : memref<!tpu.dma_semaphore, #tpu.memory_space<semaphore_mem>>)
        %dma_wait3A = arith.constant 0 : i32
        %dma_wait3A_67 = tpu.memref_slice %arg7[%mul3A_7, %dma_wait3A] : memref<10000x128xf32, #tpu.memory_space<hbm>> -> memref<624x128xf32, #tpu.memory_space<hbm>>
        %dma_wait3A_68 = arith.constant 0 : i32
        %dma_wait3A_69 = tpu.memref_slice %arg18[%mul3A_7, %dma_wait3A_68] : memref<10000x128xf32, #tpu.memory_space<vmem_shared>> -> memref<624x128xf32, #tpu.memory_space<vmem_shared>>
        tpu.wait_dma2 semaphore(%run_scoped3A : memref<!tpu.dma_semaphore, #tpu.memory_space<semaphore_mem>>) src(%dma_wait3A_69 : memref<624x128xf32, #tpu.memory_space<vmem_shared>>) dst(%dma_wait3A_67 : memref<624x128xf32, #tpu.memory_space<hbm>>)
        tpu.yield
      }) : () -> ()
      %eq3A_59 = arith.constant 15 : i32
      %eq3A_60 = arith.cmpi eq, %arg1, %eq3A_59 : i32
      %convert_element_type3A_61 = arith.extui %eq3A_60 : i1 to i32
      %cond3A_62 = arith.constant 0 : i32
      %cond3A_63 = arith.cmpi ne, %convert_element_type3A_61, %cond3A_62 : i32
      scf.if %cond3A_63 {
        "tpu.region"() ({
          %run_scoped3A = tpu.sem_alloc : memref<!tpu.dma_semaphore, #tpu.memory_space<semaphore_mem>>
          %dma_start3A = arith.constant 9984 : i32
          %dma_start3A_64 = arith.constant 0 : i32
          %dma_start3A_65 = tpu.memref_slice %arg7[%dma_start3A, %dma_start3A_64] : memref<10000x128xf32, #tpu.memory_space<hbm>> -> memref<16x128xf32, #tpu.memory_space<hbm>>
          %dma_start3A_66 = arith.constant 9984 : i32
          %dma_start3A_67 = arith.constant 0 : i32
          %dma_start3A_68 = tpu.memref_slice %arg18[%dma_start3A_66, %dma_start3A_67] : memref<10000x128xf32, #tpu.memory_space<vmem_shared>> -> memref<16x128xf32, #tpu.memory_space<vmem_shared>>
          tpu.enqueue_dma source(%dma_start3A_68 : memref<16x128xf32, #tpu.memory_space<vmem_shared>>) target(%dma_start3A_65 : memref<16x128xf32, #tpu.memory_space<hbm>>) target_semaphore(%run_scoped3A : memref<!tpu.dma_semaphore, #tpu.memory_space<semaphore_mem>>)
          %dma_wait3A = arith.constant 9984 : i32
          %dma_wait3A_69 = arith.constant 0 : i32
          %dma_wait3A_70 = tpu.memref_slice %arg7[%dma_wait3A, %dma_wait3A_69] : memref<10000x128xf32, #tpu.memory_space<hbm>> -> memref<16x128xf32, #tpu.memory_space<hbm>>
          %dma_wait3A_71 = arith.constant 9984 : i32
          %dma_wait3A_72 = arith.constant 0 : i32
          %dma_wait3A_73 = tpu.memref_slice %arg18[%dma_wait3A_71, %dma_wait3A_72] : memref<10000x128xf32, #tpu.memory_space<vmem_shared>> -> memref<16x128xf32, #tpu.memory_space<vmem_shared>>
          tpu.wait_dma2 semaphore(%run_scoped3A : memref<!tpu.dma_semaphore, #tpu.memory_space<semaphore_mem>>) src(%dma_wait3A_73 : memref<16x128xf32, #tpu.memory_space<vmem_shared>>) dst(%dma_wait3A_70 : memref<16x128xf32, #tpu.memory_space<hbm>>)
          tpu.yield
        }) : () -> ()
      } else {
      }
    } else {
    }
    %eq3A_2 = arith.constant 1 : i32
    %eq3A_3 = arith.cmpi eq, %arg0, %eq3A_2 : i32
    %convert_element_type3A_4 = arith.extui %eq3A_3 : i1 to i32
    %cond3A_5 = arith.constant 0 : i32
    %cond3A_6 = arith.cmpi ne, %convert_element_type3A_4, %cond3A_5 : i32
    scf.if %cond3A_6 {
      %mul3A = arith.constant 624 : i32
      %mul3A_7 = arith.muli %arg1, %mul3A : i32
      "tpu.region"() ({
        %run_scoped3A = tpu.sem_alloc : memref<!tpu.dma_semaphore, #tpu.memory_space<semaphore_mem>>
        %dma_start3A = arith.constant 0 : i32
        %dma_start3A_64 = tpu.memref_slice %arg18[%mul3A_7, %dma_start3A] : memref<10000x128xf32, #tpu.memory_space<vmem_shared>> -> memref<624x128xf32, #tpu.memory_space<vmem_shared>>
        %dma_start3A_65 = arith.constant 0 : i32
        %dma_start3A_66 = tpu.memref_slice %arg2[%mul3A_7, %dma_start3A_65] : memref<10000x128xf32, #tpu.memory_space<hbm>> -> memref<624x128xf32, #tpu.memory_space<hbm>>
        tpu.enqueue_dma source(%dma_start3A_66 : memref<624x128xf32, #tpu.memory_space<hbm>>) target(%dma_start3A_64 : memref<624x128xf32, #tpu.memory_space<vmem_shared>>) target_semaphore(%run_scoped3A : memref<!tpu.dma_semaphore, #tpu.memory_space<semaphore_mem>>)
        %dma_wait3A = arith.constant 0 : i32
        %dma_wait3A_67 = tpu.memref_slice %arg18[%mul3A_7, %dma_wait3A] : memref<10000x128xf32, #tpu.memory_space<vmem_shared>> -> memref<624x128xf32, #tpu.memory_space<vmem_shared>>
        %dma_wait3A_68 = arith.constant 0 : i32
        %dma_wait3A_69 = tpu.memref_slice %arg2[%mul3A_7, %dma_wait3A_68] : memref<10000x128xf32, #tpu.memory_space<hbm>> -> memref<624x128xf32, #tpu.memory_space<hbm>>
        tpu.wait_dma2 semaphore(%run_scoped3A : memref<!tpu.dma_semaphore, #tpu.memory_space<semaphore_mem>>) src(%dma_wait3A_69 : memref<624x128xf32, #tpu.memory_space<hbm>>) dst(%dma_wait3A_67 : memref<624x128xf32, #tpu.memory_space<vmem_shared>>)
        tpu.yield
      }) : () -> ()
      %eq3A_8 = arith.constant 15 : i32
      %eq3A_9 = arith.cmpi eq, %arg1, %eq3A_8 : i32
      %convert_element_type3A_10 = arith.extui %eq3A_9 : i1 to i32
      %cond3A_11 = arith.constant 0 : i32
      %cond3A_12 = arith.cmpi ne, %convert_element_type3A_10, %cond3A_11 : i32
      scf.if %cond3A_12 {
        "tpu.region"() ({
          %run_scoped3A = tpu.sem_alloc : memref<!tpu.dma_semaphore, #tpu.memory_space<semaphore_mem>>
          %dma_start3A = arith.constant 9984 : i32
          %dma_start3A_64 = arith.constant 0 : i32
          %dma_start3A_65 = tpu.memref_slice %arg18[%dma_start3A, %dma_start3A_64] : memref<10000x128xf32, #tpu.memory_space<vmem_shared>> -> memref<16x128xf32, #tpu.memory_space<vmem_shared>>
          %dma_start3A_66 = arith.constant 9984 : i32
          %dma_start3A_67 = arith.constant 0 : i32
          %dma_start3A_68 = tpu.memref_slice %arg2[%dma_start3A_66, %dma_start3A_67] : memref<10000x128xf32, #tpu.memory_space<hbm>> -> memref<16x128xf32, #tpu.memory_space<hbm>>
          tpu.enqueue_dma source(%dma_start3A_68 : memref<16x128xf32, #tpu.memory_space<hbm>>) target(%dma_start3A_65 : memref<16x128xf32, #tpu.memory_space<vmem_shared>>) target_semaphore(%run_scoped3A : memref<!tpu.dma_semaphore, #tpu.memory_space<semaphore_mem>>)
          %dma_wait3A = arith.constant 9984 : i32
          %dma_wait3A_69 = arith.constant 0 : i32
          %dma_wait3A_70 = tpu.memref_slice %arg18[%dma_wait3A, %dma_wait3A_69] : memref<10000x128xf32, #tpu.memory_space<vmem_shared>> -> memref<16x128xf32, #tpu.memory_space<vmem_shared>>
          %dma_wait3A_71 = arith.constant 9984 : i32
          %dma_wait3A_72 = arith.constant 0 : i32
          %dma_wait3A_73 = tpu.memref_slice %arg2[%dma_wait3A_71, %dma_wait3A_72] : memref<10000x128xf32, #tpu.memory_space<hbm>> -> memref<16x128xf32, #tpu.memory_space<hbm>>
          tpu.wait_dma2 semaphore(%run_scoped3A : memref<!tpu.dma_semaphore, #tpu.memory_space<semaphore_mem>>) src(%dma_wait3A_73 : memref<16x128xf32, #tpu.memory_space<hbm>>) dst(%dma_wait3A_70 : memref<16x128xf32, #tpu.memory_space<vmem_shared>>)
          tpu.yield
        }) : () -> ()
      } else {
      }
      %barrier3A = arith.constant 0 : index
      tpu.barrier barrier_id(%barrier3A)
      %add3A = arith.constant 0 : i32
      %add3A_13 = arith.addi %add3A, %arg1 : i32
      %lt3A = arith.constant 2500 : i32
      %lt3A_14 = arith.cmpi slt, %add3A_13, %lt3A : i32
      %convert_element_type3A_15 = arith.extui %lt3A_14 : i1 to i32
      %cond3A_16 = arith.constant 0 : i32
      %cond3A_17 = arith.cmpi ne, %convert_element_type3A_15, %cond3A_16 : i32
      scf.if %cond3A_17 {
        %add3A_64 = arith.constant 0 : i32
        %add3A_65 = arith.addi %add3A_64, %arg1 : i32
        %mul3A_66 = arith.constant 128 : i32
        %mul3A_67 = arith.muli %add3A_65, %mul3A_66 : i32
        %dma_start3A = tpu.memref_slice %arg5[%mul3A_67] : memref<320000xi32, #tpu.memory_space<hbm>> -> memref<128xi32, #tpu.memory_space<hbm>>
        %dma_start3A_68 = tpu.memref_slice %arg5[%mul3A_67] : memref<320000xi32, #tpu.memory_space<hbm>> -> memref<128xi32, #tpu.memory_space<hbm>>
        tpu.enqueue_dma source(%dma_start3A_68 : memref<128xi32, #tpu.memory_space<hbm>>) target(%arg9 : memref<128xi32, #tpu.memory_space<vmem>>) target_semaphore(%arg19 : memref<!tpu.dma_semaphore, #tpu.memory_space<semaphore_mem>>)
        %add3A_69 = arith.constant 0 : i32
        %add3A_70 = arith.addi %add3A_69, %arg1 : i32
        %mul3A_71 = arith.constant 128 : i32
        %mul3A_72 = arith.muli %add3A_70, %mul3A_71 : i32
        %dma_start3A_73 = tpu.memref_slice %arg6[%mul3A_72] : memref<320000xi32, #tpu.memory_space<hbm>> -> memref<128xi32, #tpu.memory_space<hbm>>
        %dma_start3A_74 = tpu.memref_slice %arg6[%mul3A_72] : memref<320000xi32, #tpu.memory_space<hbm>> -> memref<128xi32, #tpu.memory_space<hbm>>
        tpu.enqueue_dma source(%dma_start3A_74 : memref<128xi32, #tpu.memory_space<hbm>>) target(%arg12 : memref<128xi32, #tpu.memory_space<vmem>>) target_semaphore(%arg22 : memref<!tpu.dma_semaphore, #tpu.memory_space<semaphore_mem>>)
      } else {
      }
      %add3A_18 = arith.constant 16 : i32
      %add3A_19 = arith.addi %add3A_18, %arg1 : i32
      %lt3A_20 = arith.constant 2500 : i32
      %lt3A_21 = arith.cmpi slt, %add3A_19, %lt3A_20 : i32
      %convert_element_type3A_22 = arith.extui %lt3A_21 : i1 to i32
      %cond3A_23 = arith.constant 0 : i32
      %cond3A_24 = arith.cmpi ne, %convert_element_type3A_22, %cond3A_23 : i32
      scf.if %cond3A_24 {
        %add3A_64 = arith.constant 16 : i32
        %add3A_65 = arith.addi %add3A_64, %arg1 : i32
        %mul3A_66 = arith.constant 128 : i32
        %mul3A_67 = arith.muli %add3A_65, %mul3A_66 : i32
        %dma_start3A = tpu.memref_slice %arg5[%mul3A_67] : memref<320000xi32, #tpu.memory_space<hbm>> -> memref<128xi32, #tpu.memory_space<hbm>>
        %dma_start3A_68 = tpu.memref_slice %arg5[%mul3A_67] : memref<320000xi32, #tpu.memory_space<hbm>> -> memref<128xi32, #tpu.memory_space<hbm>>
        tpu.enqueue_dma source(%dma_start3A_68 : memref<128xi32, #tpu.memory_space<hbm>>) target(%arg10 : memref<128xi32, #tpu.memory_space<vmem>>) target_semaphore(%arg20 : memref<!tpu.dma_semaphore, #tpu.memory_space<semaphore_mem>>)
        %add3A_69 = arith.constant 16 : i32
        %add3A_70 = arith.addi %add3A_69, %arg1 : i32
        %mul3A_71 = arith.constant 128 : i32
        %mul3A_72 = arith.muli %add3A_70, %mul3A_71 : i32
        %dma_start3A_73 = tpu.memref_slice %arg6[%mul3A_72] : memref<320000xi32, #tpu.memory_space<hbm>> -> memref<128xi32, #tpu.memory_space<hbm>>
        %dma_start3A_74 = tpu.memref_slice %arg6[%mul3A_72] : memref<320000xi32, #tpu.memory_space<hbm>> -> memref<128xi32, #tpu.memory_space<hbm>>
        tpu.enqueue_dma source(%dma_start3A_74 : memref<128xi32, #tpu.memory_space<hbm>>) target(%arg13 : memref<128xi32, #tpu.memory_space<vmem>>) target_semaphore(%arg23 : memref<!tpu.dma_semaphore, #tpu.memory_space<semaphore_mem>>)
      } else {
      }
      %add3A_25 = arith.constant 32 : i32
      %add3A_26 = arith.addi %add3A_25, %arg1 : i32
      %lt3A_27 = arith.constant 2500 : i32
      %lt3A_28 = arith.cmpi slt, %add3A_26, %lt3A_27 : i32
      %convert_element_type3A_29 = arith.extui %lt3A_28 : i1 to i32
      %cond3A_30 = arith.constant 0 : i32
      %cond3A_31 = arith.cmpi ne, %convert_element_type3A_29, %cond3A_30 : i32
      scf.if %cond3A_31 {
        %add3A_64 = arith.constant 32 : i32
        %add3A_65 = arith.addi %add3A_64, %arg1 : i32
        %mul3A_66 = arith.constant 128 : i32
        %mul3A_67 = arith.muli %add3A_65, %mul3A_66 : i32
        %dma_start3A = tpu.memref_slice %arg5[%mul3A_67] : memref<320000xi32, #tpu.memory_space<hbm>> -> memref<128xi32, #tpu.memory_space<hbm>>
        %dma_start3A_68 = tpu.memref_slice %arg5[%mul3A_67] : memref<320000xi32, #tpu.memory_space<hbm>> -> memref<128xi32, #tpu.memory_space<hbm>>
        tpu.enqueue_dma source(%dma_start3A_68 : memref<128xi32, #tpu.memory_space<hbm>>) target(%arg11 : memref<128xi32, #tpu.memory_space<vmem>>) target_semaphore(%arg21 : memref<!tpu.dma_semaphore, #tpu.memory_space<semaphore_mem>>)
        %add3A_69 = arith.constant 32 : i32
        %add3A_70 = arith.addi %add3A_69, %arg1 : i32
        %mul3A_71 = arith.constant 128 : i32
        %mul3A_72 = arith.muli %add3A_70, %mul3A_71 : i32
        %dma_start3A_73 = tpu.memref_slice %arg6[%mul3A_72] : memref<320000xi32, #tpu.memory_space<hbm>> -> memref<128xi32, #tpu.memory_space<hbm>>
        %dma_start3A_74 = tpu.memref_slice %arg6[%mul3A_72] : memref<320000xi32, #tpu.memory_space<hbm>> -> memref<128xi32, #tpu.memory_space<hbm>>
        tpu.enqueue_dma source(%dma_start3A_74 : memref<128xi32, #tpu.memory_space<hbm>>) target(%arg14 : memref<128xi32, #tpu.memory_space<vmem>>) target_semaphore(%arg24 : memref<!tpu.dma_semaphore, #tpu.memory_space<semaphore_mem>>)
      } else {
      }
      %add3A_32 = arith.constant 0 : i32
      %add3A_33 = arith.addi %add3A_32, %arg1 : i32
      %lt3A_34 = arith.constant 2500 : i32
      %lt3A_35 = arith.cmpi slt, %add3A_33, %lt3A_34 : i32
      %convert_element_type3A_36 = arith.extui %lt3A_35 : i1 to i32
      %cond3A_37 = arith.constant 0 : i32
      %cond3A_38 = arith.cmpi ne, %convert_element_type3A_36, %cond3A_37 : i32
      scf.if %cond3A_38 {
        %add3A_64 = arith.constant 0 : i32
        %add3A_65 = arith.addi %add3A_64, %arg1 : i32
        %mul3A_66 = arith.constant 128 : i32
        %mul3A_67 = arith.muli %add3A_65, %mul3A_66 : i32
        %dma_wait3A = tpu.memref_slice %arg5[%mul3A_67] : memref<320000xi32, #tpu.memory_space<hbm>> -> memref<128xi32, #tpu.memory_space<hbm>>
        %dma_wait3A_68 = tpu.memref_slice %arg5[%mul3A_67] : memref<320000xi32, #tpu.memory_space<hbm>> -> memref<128xi32, #tpu.memory_space<hbm>>
        tpu.wait_dma2 semaphore(%arg19 : memref<!tpu.dma_semaphore, #tpu.memory_space<semaphore_mem>>) src(%dma_wait3A_68 : memref<128xi32, #tpu.memory_space<hbm>>) dst(%arg9 : memref<128xi32, #tpu.memory_space<vmem>>)
        %dma_start3A = arith.constant 0 : i32
        %dma_start3A_69 = arith.constant 0 : i32
        %dma_start3A_70 = tpu.memref_slice %arg2[%dma_start3A, %dma_start3A_69] : memref<10000x128xf32, #tpu.memory_space<hbm>> -> memref<10000x128xf32, #tpu.memory_space<hbm>>
        tpu.enqueue_indirect_dma source(%dma_start3A_70 : memref<10000x128xf32, #tpu.memory_space<hbm>>) target(%arg15 : memref<128x128xf32, #tpu.memory_space<vmem>>) offsets(%arg9 : memref<128xi32, #tpu.memory_space<vmem>>) semaphore(%arg25 : memref<!tpu.dma_semaphore, #tpu.memory_space<semaphore_mem>>)
      } else {
      }
      %add3A_39 = arith.constant 16 : i32
      %add3A_40 = arith.addi %add3A_39, %arg1 : i32
      %lt3A_41 = arith.constant 2500 : i32
      %lt3A_42 = arith.cmpi slt, %add3A_40, %lt3A_41 : i32
      %convert_element_type3A_43 = arith.extui %lt3A_42 : i1 to i32
      %cond3A_44 = arith.constant 0 : i32
      %cond3A_45 = arith.cmpi ne, %convert_element_type3A_43, %cond3A_44 : i32
      scf.if %cond3A_45 {
        %add3A_64 = arith.constant 16 : i32
        %add3A_65 = arith.addi %add3A_64, %arg1 : i32
        %mul3A_66 = arith.constant 128 : i32
        %mul3A_67 = arith.muli %add3A_65, %mul3A_66 : i32
        %dma_wait3A = tpu.memref_slice %arg5[%mul3A_67] : memref<320000xi32, #tpu.memory_space<hbm>> -> memref<128xi32, #tpu.memory_space<hbm>>
        %dma_wait3A_68 = tpu.memref_slice %arg5[%mul3A_67] : memref<320000xi32, #tpu.memory_space<hbm>> -> memref<128xi32, #tpu.memory_space<hbm>>
        tpu.wait_dma2 semaphore(%arg20 : memref<!tpu.dma_semaphore, #tpu.memory_space<semaphore_mem>>) src(%dma_wait3A_68 : memref<128xi32, #tpu.memory_space<hbm>>) dst(%arg10 : memref<128xi32, #tpu.memory_space<vmem>>)
        %dma_start3A = arith.constant 0 : i32
        %dma_start3A_69 = arith.constant 0 : i32
        %dma_start3A_70 = tpu.memref_slice %arg2[%dma_start3A, %dma_start3A_69] : memref<10000x128xf32, #tpu.memory_space<hbm>> -> memref<10000x128xf32, #tpu.memory_space<hbm>>
        tpu.enqueue_indirect_dma source(%dma_start3A_70 : memref<10000x128xf32, #tpu.memory_space<hbm>>) target(%arg16 : memref<128x128xf32, #tpu.memory_space<vmem>>) offsets(%arg10 : memref<128xi32, #tpu.memory_space<vmem>>) semaphore(%arg26 : memref<!tpu.dma_semaphore, #tpu.memory_space<semaphore_mem>>)
      } else {
      }
      %add3A_46 = arith.constant 32 : i32
      %add3A_47 = arith.addi %add3A_46, %arg1 : i32
      %lt3A_48 = arith.constant 2500 : i32
      %lt3A_49 = arith.cmpi slt, %add3A_47, %lt3A_48 : i32
      %convert_element_type3A_50 = arith.extui %lt3A_49 : i1 to i32
      %cond3A_51 = arith.constant 0 : i32
      %cond3A_52 = arith.cmpi ne, %convert_element_type3A_50, %cond3A_51 : i32
      scf.if %cond3A_52 {
        %add3A_64 = arith.constant 32 : i32
        %add3A_65 = arith.addi %add3A_64, %arg1 : i32
        %mul3A_66 = arith.constant 128 : i32
        %mul3A_67 = arith.muli %add3A_65, %mul3A_66 : i32
        %dma_wait3A = tpu.memref_slice %arg5[%mul3A_67] : memref<320000xi32, #tpu.memory_space<hbm>> -> memref<128xi32, #tpu.memory_space<hbm>>
        %dma_wait3A_68 = tpu.memref_slice %arg5[%mul3A_67] : memref<320000xi32, #tpu.memory_space<hbm>> -> memref<128xi32, #tpu.memory_space<hbm>>
        tpu.wait_dma2 semaphore(%arg21 : memref<!tpu.dma_semaphore, #tpu.memory_space<semaphore_mem>>) src(%dma_wait3A_68 : memref<128xi32, #tpu.memory_space<hbm>>) dst(%arg11 : memref<128xi32, #tpu.memory_space<vmem>>)
        %dma_start3A = arith.constant 0 : i32
        %dma_start3A_69 = arith.constant 0 : i32
        %dma_start3A_70 = tpu.memref_slice %arg2[%dma_start3A, %dma_start3A_69] : memref<10000x128xf32, #tpu.memory_space<hbm>> -> memref<10000x128xf32, #tpu.memory_space<hbm>>
        tpu.enqueue_indirect_dma source(%dma_start3A_70 : memref<10000x128xf32, #tpu.memory_space<hbm>>) target(%arg17 : memref<128x128xf32, #tpu.memory_space<vmem>>) offsets(%arg11 : memref<128xi32, #tpu.memory_space<vmem>>) semaphore(%arg27 : memref<!tpu.dma_semaphore, #tpu.memory_space<semaphore_mem>>)
      } else {
      }
      %scan3A = arith.constant 0 : i32
      %scan3A_53 = arith.constant 0 : i32
      %scan3A_54 = arith.constant 53 : i32
      %scan3A_55 = arith.addi %scan3A_53, %scan3A_54 : i32
      %scan3A_56 = arith.constant 1 : i32
      scf.for %scan3A_64 = %scan3A_53 to %scan3A_55 step %scan3A_56  : i32 {
        %mul3A_65 = arith.constant 3 : i32
        %mul3A_66 = arith.muli %mul3A_65, %scan3A_64 : i32
        %add3A_67 = arith.constant 0 : i32
        %add3A_68 = arith.addi %mul3A_66, %add3A_67 : i32
        %mul3A_69 = arith.constant 16 : i32
        %mul3A_70 = arith.muli %add3A_68, %mul3A_69 : i32
        %add3A_71 = arith.addi %mul3A_70, %arg1 : i32
        %lt3A_72 = arith.constant 2500 : i32
        %lt3A_73 = arith.cmpi slt, %add3A_71, %lt3A_72 : i32
        %convert_element_type3A_74 = arith.extui %lt3A_73 : i1 to i32
        %cond3A_75 = arith.constant 0 : i32
        %cond3A_76 = arith.cmpi ne, %convert_element_type3A_74, %cond3A_75 : i32
        scf.if %cond3A_76 {
          %dma_wait3A = arith.constant 0 : i32
          %dma_wait3A_101 = arith.constant 0 : i32
          %dma_wait3A_102 = tpu.memref_slice %arg2[%dma_wait3A, %dma_wait3A_101] : memref<10000x128xf32, #tpu.memory_space<hbm>> -> memref<10000x128xf32, #tpu.memory_space<hbm>>
          tpu.wait_indirect_dma semaphore(%arg25 : memref<!tpu.dma_semaphore, #tpu.memory_space<semaphore_mem>>) src(%dma_wait3A_102 : memref<10000x128xf32, #tpu.memory_space<hbm>>) dst(%arg15 : memref<128x128xf32, #tpu.memory_space<vmem>>)
          %add3A_103 = arith.constant 3 : i32
          %add3A_104 = arith.addi %add3A_68, %add3A_103 : i32
          %mul3A_105 = arith.constant 16 : i32
          %mul3A_106 = arith.muli %add3A_104, %mul3A_105 : i32
          %add3A_107 = arith.addi %mul3A_106, %arg1 : i32
          %lt3A_108 = arith.constant 2500 : i32
          %lt3A_109 = arith.cmpi slt, %add3A_107, %lt3A_108 : i32
          %convert_element_type3A_110 = arith.extui %lt3A_109 : i1 to i32
          %cond3A_111 = arith.constant 0 : i32
          %cond3A_112 = arith.cmpi ne, %convert_element_type3A_110, %cond3A_111 : i32
          scf.if %cond3A_112 {
            %add3A_130 = arith.constant 3 : i32
            %add3A_131 = arith.addi %add3A_68, %add3A_130 : i32
            %mul3A_132 = arith.constant 16 : i32
            %mul3A_133 = arith.muli %add3A_131, %mul3A_132 : i32
            %add3A_134 = arith.addi %mul3A_133, %arg1 : i32
            %mul3A_135 = arith.constant 128 : i32
            %mul3A_136 = arith.muli %add3A_134, %mul3A_135 : i32
            %dma_start3A = tpu.memref_slice %arg5[%mul3A_136] : memref<320000xi32, #tpu.memory_space<hbm>> -> memref<128xi32, #tpu.memory_space<hbm>>
            %dma_start3A_137 = tpu.memref_slice %arg5[%mul3A_136] : memref<320000xi32, #tpu.memory_space<hbm>> -> memref<128xi32, #tpu.memory_space<hbm>>
            tpu.enqueue_dma source(%dma_start3A_137 : memref<128xi32, #tpu.memory_space<hbm>>) target(%arg9 : memref<128xi32, #tpu.memory_space<vmem>>) target_semaphore(%arg19 : memref<!tpu.dma_semaphore, #tpu.memory_space<semaphore_mem>>)
          } else {
          }
          %mul3A_113 = arith.constant 16 : i32
          %mul3A_114 = arith.muli %add3A_68, %mul3A_113 : i32
          %add3A_115 = arith.addi %mul3A_114, %arg1 : i32
          %mul3A_116 = arith.constant 128 : i32
          %mul3A_117 = arith.muli %add3A_115, %mul3A_116 : i32
          %dma_wait3A_118 = tpu.memref_slice %arg6[%mul3A_117] : memref<320000xi32, #tpu.memory_space<hbm>> -> memref<128xi32, #tpu.memory_space<hbm>>
          %dma_wait3A_119 = tpu.memref_slice %arg6[%mul3A_117] : memref<320000xi32, #tpu.memory_space<hbm>> -> memref<128xi32, #tpu.memory_space<hbm>>
          tpu.wait_dma2 semaphore(%arg22 : memref<!tpu.dma_semaphore, #tpu.memory_space<semaphore_mem>>) src(%dma_wait3A_119 : memref<128xi32, #tpu.memory_space<hbm>>) dst(%arg12 : memref<128xi32, #tpu.memory_space<vmem>>)
          "tpu.region"() ({
            %run_scoped3A = tpu.sem_alloc : memref<!tpu.dma_semaphore, #tpu.memory_space<semaphore_mem>>
            %dma_start3A = arith.constant 0 : i32
            %dma_start3A_130 = arith.constant 0 : i32
            %dma_start3A_131 = tpu.memref_slice %arg18[%dma_start3A, %dma_start3A_130] : memref<10000x128xf32, #tpu.memory_space<vmem_shared>> -> memref<10000x128xf32, #tpu.memory_space<vmem_shared>>
            tpu.enqueue_indirect_dma source(%arg15 : memref<128x128xf32, #tpu.memory_space<vmem>>) target(%dma_start3A_131 : memref<10000x128xf32, #tpu.memory_space<vmem_shared>>) offsets(%arg12 : memref<128xi32, #tpu.memory_space<vmem>>) semaphore(%run_scoped3A : memref<!tpu.dma_semaphore, #tpu.memory_space<semaphore_mem>>) {add = true}
            %dma_wait3A_132 = arith.constant 0 : i32
            %dma_wait3A_133 = arith.constant 0 : i32
            %dma_wait3A_134 = tpu.memref_slice %arg18[%dma_wait3A_132, %dma_wait3A_133] : memref<10000x128xf32, #tpu.memory_space<vmem_shared>> -> memref<10000x128xf32, #tpu.memory_space<vmem_shared>>
            tpu.wait_indirect_dma semaphore(%run_scoped3A : memref<!tpu.dma_semaphore, #tpu.memory_space<semaphore_mem>>) src(%arg15 : memref<128x128xf32, #tpu.memory_space<vmem>>) dst(%dma_wait3A_134 : memref<10000x128xf32, #tpu.memory_space<vmem_shared>>)
            tpu.yield
          }) : () -> ()
          %add3A_120 = arith.constant 3 : i32
          %add3A_121 = arith.addi %add3A_68, %add3A_120 : i32
          %mul3A_122 = arith.constant 16 : i32
          %mul3A_123 = arith.muli %add3A_121, %mul3A_122 : i32
          %add3A_124 = arith.addi %mul3A_123, %arg1 : i32
          %lt3A_125 = arith.constant 2500 : i32
          %lt3A_126 = arith.cmpi slt, %add3A_124, %lt3A_125 : i32
          %convert_element_type3A_127 = arith.extui %lt3A_126 : i1 to i32
          %cond3A_128 = arith.constant 0 : i32
          %cond3A_129 = arith.cmpi ne, %convert_element_type3A_127, %cond3A_128 : i32
          scf.if %cond3A_129 {
            %add3A_130 = arith.constant 3 : i32
            %add3A_131 = arith.addi %add3A_68, %add3A_130 : i32
            %mul3A_132 = arith.constant 16 : i32
            %mul3A_133 = arith.muli %add3A_131, %mul3A_132 : i32
            %add3A_134 = arith.addi %mul3A_133, %arg1 : i32
            %mul3A_135 = arith.constant 128 : i32
            %mul3A_136 = arith.muli %add3A_134, %mul3A_135 : i32
            %dma_start3A = tpu.memref_slice %arg6[%mul3A_136] : memref<320000xi32, #tpu.memory_space<hbm>> -> memref<128xi32, #tpu.memory_space<hbm>>
            %dma_start3A_137 = tpu.memref_slice %arg6[%mul3A_136] : memref<320000xi32, #tpu.memory_space<hbm>> -> memref<128xi32, #tpu.memory_space<hbm>>
            tpu.enqueue_dma source(%dma_start3A_137 : memref<128xi32, #tpu.memory_space<hbm>>) target(%arg12 : memref<128xi32, #tpu.memory_space<vmem>>) target_semaphore(%arg22 : memref<!tpu.dma_semaphore, #tpu.memory_space<semaphore_mem>>)
            %add3A_138 = arith.constant 3 : i32
            %add3A_139 = arith.addi %add3A_68, %add3A_138 : i32
            %mul3A_140 = arith.constant 16 : i32
            %mul3A_141 = arith.muli %add3A_139, %mul3A_140 : i32
            %add3A_142 = arith.addi %mul3A_141, %arg1 : i32
            %mul3A_143 = arith.constant 128 : i32
            %mul3A_144 = arith.muli %add3A_142, %mul3A_143 : i32
            %dma_wait3A_145 = tpu.memref_slice %arg5[%mul3A_144] : memref<320000xi32, #tpu.memory_space<hbm>> -> memref<128xi32, #tpu.memory_space<hbm>>
            %dma_wait3A_146 = tpu.memref_slice %arg5[%mul3A_144] : memref<320000xi32, #tpu.memory_space<hbm>> -> memref<128xi32, #tpu.memory_space<hbm>>
            tpu.wait_dma2 semaphore(%arg19 : memref<!tpu.dma_semaphore, #tpu.memory_space<semaphore_mem>>) src(%dma_wait3A_146 : memref<128xi32, #tpu.memory_space<hbm>>) dst(%arg9 : memref<128xi32, #tpu.memory_space<vmem>>)
            %dma_start3A_147 = arith.constant 0 : i32
            %dma_start3A_148 = arith.constant 0 : i32
            %dma_start3A_149 = tpu.memref_slice %arg2[%dma_start3A_147, %dma_start3A_148] : memref<10000x128xf32, #tpu.memory_space<hbm>> -> memref<10000x128xf32, #tpu.memory_space<hbm>>
            tpu.enqueue_indirect_dma source(%dma_start3A_149 : memref<10000x128xf32, #tpu.memory_space<hbm>>) target(%arg15 : memref<128x128xf32, #tpu.memory_space<vmem>>) offsets(%arg9 : memref<128xi32, #tpu.memory_space<vmem>>) semaphore(%arg25 : memref<!tpu.dma_semaphore, #tpu.memory_space<semaphore_mem>>)
          } else {
          }
        } else {
        }
        %mul3A_77 = arith.constant 3 : i32
        %mul3A_78 = arith.muli %mul3A_77, %scan3A_64 : i32
        %add3A_79 = arith.constant 1 : i32
        %add3A_80 = arith.addi %mul3A_78, %add3A_79 : i32
        %mul3A_81 = arith.constant 16 : i32
        %mul3A_82 = arith.muli %add3A_80, %mul3A_81 : i32
        %add3A_83 = arith.addi %mul3A_82, %arg1 : i32
        %lt3A_84 = arith.constant 2500 : i32
        %lt3A_85 = arith.cmpi slt, %add3A_83, %lt3A_84 : i32
        %convert_element_type3A_86 = arith.extui %lt3A_85 : i1 to i32
        %cond3A_87 = arith.constant 0 : i32
        %cond3A_88 = arith.cmpi ne, %convert_element_type3A_86, %cond3A_87 : i32
        scf.if %cond3A_88 {
          %dma_wait3A = arith.constant 0 : i32
          %dma_wait3A_101 = arith.constant 0 : i32
          %dma_wait3A_102 = tpu.memref_slice %arg2[%dma_wait3A, %dma_wait3A_101] : memref<10000x128xf32, #tpu.memory_space<hbm>> -> memref<10000x128xf32, #tpu.memory_space<hbm>>
          tpu.wait_indirect_dma semaphore(%arg26 : memref<!tpu.dma_semaphore, #tpu.memory_space<semaphore_mem>>) src(%dma_wait3A_102 : memref<10000x128xf32, #tpu.memory_space<hbm>>) dst(%arg16 : memref<128x128xf32, #tpu.memory_space<vmem>>)
          %add3A_103 = arith.constant 3 : i32
          %add3A_104 = arith.addi %add3A_80, %add3A_103 : i32
          %mul3A_105 = arith.constant 16 : i32
          %mul3A_106 = arith.muli %add3A_104, %mul3A_105 : i32
          %add3A_107 = arith.addi %mul3A_106, %arg1 : i32
          %lt3A_108 = arith.constant 2500 : i32
          %lt3A_109 = arith.cmpi slt, %add3A_107, %lt3A_108 : i32
          %convert_element_type3A_110 = arith.extui %lt3A_109 : i1 to i32
          %cond3A_111 = arith.constant 0 : i32
          %cond3A_112 = arith.cmpi ne, %convert_element_type3A_110, %cond3A_111 : i32
          scf.if %cond3A_112 {
            %add3A_130 = arith.constant 3 : i32
            %add3A_131 = arith.addi %add3A_80, %add3A_130 : i32
            %mul3A_132 = arith.constant 16 : i32
            %mul3A_133 = arith.muli %add3A_131, %mul3A_132 : i32
            %add3A_134 = arith.addi %mul3A_133, %arg1 : i32
            %mul3A_135 = arith.constant 128 : i32
            %mul3A_136 = arith.muli %add3A_134, %mul3A_135 : i32
            %dma_start3A = tpu.memref_slice %arg5[%mul3A_136] : memref<320000xi32, #tpu.memory_space<hbm>> -> memref<128xi32, #tpu.memory_space<hbm>>
            %dma_start3A_137 = tpu.memref_slice %arg5[%mul3A_136] : memref<320000xi32, #tpu.memory_space<hbm>> -> memref<128xi32, #tpu.memory_space<hbm>>
            tpu.enqueue_dma source(%dma_start3A_137 : memref<128xi32, #tpu.memory_space<hbm>>) target(%arg10 : memref<128xi32, #tpu.memory_space<vmem>>) target_semaphore(%arg20 : memref<!tpu.dma_semaphore, #tpu.memory_space<semaphore_mem>>)
          } else {
          }
          %mul3A_113 = arith.constant 16 : i32
          %mul3A_114 = arith.muli %add3A_80, %mul3A_113 : i32
          %add3A_115 = arith.addi %mul3A_114, %arg1 : i32
          %mul3A_116 = arith.constant 128 : i32
          %mul3A_117 = arith.muli %add3A_115, %mul3A_116 : i32
          %dma_wait3A_118 = tpu.memref_slice %arg6[%mul3A_117] : memref<320000xi32, #tpu.memory_space<hbm>> -> memref<128xi32, #tpu.memory_space<hbm>>
          %dma_wait3A_119 = tpu.memref_slice %arg6[%mul3A_117] : memref<320000xi32, #tpu.memory_space<hbm>> -> memref<128xi32, #tpu.memory_space<hbm>>
          tpu.wait_dma2 semaphore(%arg23 : memref<!tpu.dma_semaphore, #tpu.memory_space<semaphore_mem>>) src(%dma_wait3A_119 : memref<128xi32, #tpu.memory_space<hbm>>) dst(%arg13 : memref<128xi32, #tpu.memory_space<vmem>>)
          "tpu.region"() ({
            %run_scoped3A = tpu.sem_alloc : memref<!tpu.dma_semaphore, #tpu.memory_space<semaphore_mem>>
            %dma_start3A = arith.constant 0 : i32
            %dma_start3A_130 = arith.constant 0 : i32
            %dma_start3A_131 = tpu.memref_slice %arg18[%dma_start3A, %dma_start3A_130] : memref<10000x128xf32, #tpu.memory_space<vmem_shared>> -> memref<10000x128xf32, #tpu.memory_space<vmem_shared>>
            tpu.enqueue_indirect_dma source(%arg16 : memref<128x128xf32, #tpu.memory_space<vmem>>) target(%dma_start3A_131 : memref<10000x128xf32, #tpu.memory_space<vmem_shared>>) offsets(%arg13 : memref<128xi32, #tpu.memory_space<vmem>>) semaphore(%run_scoped3A : memref<!tpu.dma_semaphore, #tpu.memory_space<semaphore_mem>>) {add = true}
            %dma_wait3A_132 = arith.constant 0 : i32
            %dma_wait3A_133 = arith.constant 0 : i32
            %dma_wait3A_134 = tpu.memref_slice %arg18[%dma_wait3A_132, %dma_wait3A_133] : memref<10000x128xf32, #tpu.memory_space<vmem_shared>> -> memref<10000x128xf32, #tpu.memory_space<vmem_shared>>
            tpu.wait_indirect_dma semaphore(%run_scoped3A : memref<!tpu.dma_semaphore, #tpu.memory_space<semaphore_mem>>) src(%arg16 : memref<128x128xf32, #tpu.memory_space<vmem>>) dst(%dma_wait3A_134 : memref<10000x128xf32, #tpu.memory_space<vmem_shared>>)
            tpu.yield
          }) : () -> ()
          %add3A_120 = arith.constant 3 : i32
          %add3A_121 = arith.addi %add3A_80, %add3A_120 : i32
          %mul3A_122 = arith.constant 16 : i32
          %mul3A_123 = arith.muli %add3A_121, %mul3A_122 : i32
          %add3A_124 = arith.addi %mul3A_123, %arg1 : i32
          %lt3A_125 = arith.constant 2500 : i32
          %lt3A_126 = arith.cmpi slt, %add3A_124, %lt3A_125 : i32
          %convert_element_type3A_127 = arith.extui %lt3A_126 : i1 to i32
          %cond3A_128 = arith.constant 0 : i32
          %cond3A_129 = arith.cmpi ne, %convert_element_type3A_127, %cond3A_128 : i32
          scf.if %cond3A_129 {
            %add3A_130 = arith.constant 3 : i32
            %add3A_131 = arith.addi %add3A_80, %add3A_130 : i32
            %mul3A_132 = arith.constant 16 : i32
            %mul3A_133 = arith.muli %add3A_131, %mul3A_132 : i32
            %add3A_134 = arith.addi %mul3A_133, %arg1 : i32
            %mul3A_135 = arith.constant 128 : i32
            %mul3A_136 = arith.muli %add3A_134, %mul3A_135 : i32
            %dma_start3A = tpu.memref_slice %arg6[%mul3A_136] : memref<320000xi32, #tpu.memory_space<hbm>> -> memref<128xi32, #tpu.memory_space<hbm>>
            %dma_start3A_137 = tpu.memref_slice %arg6[%mul3A_136] : memref<320000xi32, #tpu.memory_space<hbm>> -> memref<128xi32, #tpu.memory_space<hbm>>
            tpu.enqueue_dma source(%dma_start3A_137 : memref<128xi32, #tpu.memory_space<hbm>>) target(%arg13 : memref<128xi32, #tpu.memory_space<vmem>>) target_semaphore(%arg23 : memref<!tpu.dma_semaphore, #tpu.memory_space<semaphore_mem>>)
            %add3A_138 = arith.constant 3 : i32
            %add3A_139 = arith.addi %add3A_80, %add3A_138 : i32
            %mul3A_140 = arith.constant 16 : i32
            %mul3A_141 = arith.muli %add3A_139, %mul3A_140 : i32
            %add3A_142 = arith.addi %mul3A_141, %arg1 : i32
            %mul3A_143 = arith.constant 128 : i32
            %mul3A_144 = arith.muli %add3A_142, %mul3A_143 : i32
            %dma_wait3A_145 = tpu.memref_slice %arg5[%mul3A_144] : memref<320000xi32, #tpu.memory_space<hbm>> -> memref<128xi32, #tpu.memory_space<hbm>>
            %dma_wait3A_146 = tpu.memref_slice %arg5[%mul3A_144] : memref<320000xi32, #tpu.memory_space<hbm>> -> memref<128xi32, #tpu.memory_space<hbm>>
            tpu.wait_dma2 semaphore(%arg20 : memref<!tpu.dma_semaphore, #tpu.memory_space<semaphore_mem>>) src(%dma_wait3A_146 : memref<128xi32, #tpu.memory_space<hbm>>) dst(%arg10 : memref<128xi32, #tpu.memory_space<vmem>>)
            %dma_start3A_147 = arith.constant 0 : i32
            %dma_start3A_148 = arith.constant 0 : i32
            %dma_start3A_149 = tpu.memref_slice %arg2[%dma_start3A_147, %dma_start3A_148] : memref<10000x128xf32, #tpu.memory_space<hbm>> -> memref<10000x128xf32, #tpu.memory_space<hbm>>
            tpu.enqueue_indirect_dma source(%dma_start3A_149 : memref<10000x128xf32, #tpu.memory_space<hbm>>) target(%arg16 : memref<128x128xf32, #tpu.memory_space<vmem>>) offsets(%arg10 : memref<128xi32, #tpu.memory_space<vmem>>) semaphore(%arg26 : memref<!tpu.dma_semaphore, #tpu.memory_space<semaphore_mem>>)
          } else {
          }
        } else {
        }
        %mul3A_89 = arith.constant 3 : i32
        %mul3A_90 = arith.muli %mul3A_89, %scan3A_64 : i32
        %add3A_91 = arith.constant 2 : i32
        %add3A_92 = arith.addi %mul3A_90, %add3A_91 : i32
        %mul3A_93 = arith.constant 16 : i32
        %mul3A_94 = arith.muli %add3A_92, %mul3A_93 : i32
        %add3A_95 = arith.addi %mul3A_94, %arg1 : i32
        %lt3A_96 = arith.constant 2500 : i32
        %lt3A_97 = arith.cmpi slt, %add3A_95, %lt3A_96 : i32
        %convert_element_type3A_98 = arith.extui %lt3A_97 : i1 to i32
        %cond3A_99 = arith.constant 0 : i32
        %cond3A_100 = arith.cmpi ne, %convert_element_type3A_98, %cond3A_99 : i32
        scf.if %cond3A_100 {
          %dma_wait3A = arith.constant 0 : i32
          %dma_wait3A_101 = arith.constant 0 : i32
          %dma_wait3A_102 = tpu.memref_slice %arg2[%dma_wait3A, %dma_wait3A_101] : memref<10000x128xf32, #tpu.memory_space<hbm>> -> memref<10000x128xf32, #tpu.memory_space<hbm>>
          tpu.wait_indirect_dma semaphore(%arg27 : memref<!tpu.dma_semaphore, #tpu.memory_space<semaphore_mem>>) src(%dma_wait3A_102 : memref<10000x128xf32, #tpu.memory_space<hbm>>) dst(%arg17 : memref<128x128xf32, #tpu.memory_space<vmem>>)
          %add3A_103 = arith.constant 3 : i32
          %add3A_104 = arith.addi %add3A_92, %add3A_103 : i32
          %mul3A_105 = arith.constant 16 : i32
          %mul3A_106 = arith.muli %add3A_104, %mul3A_105 : i32
          %add3A_107 = arith.addi %mul3A_106, %arg1 : i32
          %lt3A_108 = arith.constant 2500 : i32
          %lt3A_109 = arith.cmpi slt, %add3A_107, %lt3A_108 : i32
          %convert_element_type3A_110 = arith.extui %lt3A_109 : i1 to i32
          %cond3A_111 = arith.constant 0 : i32
          %cond3A_112 = arith.cmpi ne, %convert_element_type3A_110, %cond3A_111 : i32
          scf.if %cond3A_112 {
            %add3A_130 = arith.constant 3 : i32
            %add3A_131 = arith.addi %add3A_92, %add3A_130 : i32
            %mul3A_132 = arith.constant 16 : i32
            %mul3A_133 = arith.muli %add3A_131, %mul3A_132 : i32
            %add3A_134 = arith.addi %mul3A_133, %arg1 : i32
            %mul3A_135 = arith.constant 128 : i32
            %mul3A_136 = arith.muli %add3A_134, %mul3A_135 : i32
            %dma_start3A = tpu.memref_slice %arg5[%mul3A_136] : memref<320000xi32, #tpu.memory_space<hbm>> -> memref<128xi32, #tpu.memory_space<hbm>>
            %dma_start3A_137 = tpu.memref_slice %arg5[%mul3A_136] : memref<320000xi32, #tpu.memory_space<hbm>> -> memref<128xi32, #tpu.memory_space<hbm>>
            tpu.enqueue_dma source(%dma_start3A_137 : memref<128xi32, #tpu.memory_space<hbm>>) target(%arg11 : memref<128xi32, #tpu.memory_space<vmem>>) target_semaphore(%arg21 : memref<!tpu.dma_semaphore, #tpu.memory_space<semaphore_mem>>)
          } else {
          }
          %mul3A_113 = arith.constant 16 : i32
          %mul3A_114 = arith.muli %add3A_92, %mul3A_113 : i32
          %add3A_115 = arith.addi %mul3A_114, %arg1 : i32
          %mul3A_116 = arith.constant 128 : i32
          %mul3A_117 = arith.muli %add3A_115, %mul3A_116 : i32
          %dma_wait3A_118 = tpu.memref_slice %arg6[%mul3A_117] : memref<320000xi32, #tpu.memory_space<hbm>> -> memref<128xi32, #tpu.memory_space<hbm>>
          %dma_wait3A_119 = tpu.memref_slice %arg6[%mul3A_117] : memref<320000xi32, #tpu.memory_space<hbm>> -> memref<128xi32, #tpu.memory_space<hbm>>
          tpu.wait_dma2 semaphore(%arg24 : memref<!tpu.dma_semaphore, #tpu.memory_space<semaphore_mem>>) src(%dma_wait3A_119 : memref<128xi32, #tpu.memory_space<hbm>>) dst(%arg14 : memref<128xi32, #tpu.memory_space<vmem>>)
          "tpu.region"() ({
            %run_scoped3A = tpu.sem_alloc : memref<!tpu.dma_semaphore, #tpu.memory_space<semaphore_mem>>
            %dma_start3A = arith.constant 0 : i32
            %dma_start3A_130 = arith.constant 0 : i32
            %dma_start3A_131 = tpu.memref_slice %arg18[%dma_start3A, %dma_start3A_130] : memref<10000x128xf32, #tpu.memory_space<vmem_shared>> -> memref<10000x128xf32, #tpu.memory_space<vmem_shared>>
            tpu.enqueue_indirect_dma source(%arg17 : memref<128x128xf32, #tpu.memory_space<vmem>>) target(%dma_start3A_131 : memref<10000x128xf32, #tpu.memory_space<vmem_shared>>) offsets(%arg14 : memref<128xi32, #tpu.memory_space<vmem>>) semaphore(%run_scoped3A : memref<!tpu.dma_semaphore, #tpu.memory_space<semaphore_mem>>) {add = true}
            %dma_wait3A_132 = arith.constant 0 : i32
            %dma_wait3A_133 = arith.constant 0 : i32
            %dma_wait3A_134 = tpu.memref_slice %arg18[%dma_wait3A_132, %dma_wait3A_133] : memref<10000x128xf32, #tpu.memory_space<vmem_shared>> -> memref<10000x128xf32, #tpu.memory_space<vmem_shared>>
            tpu.wait_indirect_dma semaphore(%run_scoped3A : memref<!tpu.dma_semaphore, #tpu.memory_space<semaphore_mem>>) src(%arg17 : memref<128x128xf32, #tpu.memory_space<vmem>>) dst(%dma_wait3A_134 : memref<10000x128xf32, #tpu.memory_space<vmem_shared>>)
            tpu.yield
          }) : () -> ()
          %add3A_120 = arith.constant 3 : i32
          %add3A_121 = arith.addi %add3A_92, %add3A_120 : i32
          %mul3A_122 = arith.constant 16 : i32
          %mul3A_123 = arith.muli %add3A_121, %mul3A_122 : i32
          %add3A_124 = arith.addi %mul3A_123, %arg1 : i32
          %lt3A_125 = arith.constant 2500 : i32
          %lt3A_126 = arith.cmpi slt, %add3A_124, %lt3A_125 : i32
          %convert_element_type3A_127 = arith.extui %lt3A_126 : i1 to i32
          %cond3A_128 = arith.constant 0 : i32
          %cond3A_129 = arith.cmpi ne, %convert_element_type3A_127, %cond3A_128 : i32
          scf.if %cond3A_129 {
            %add3A_130 = arith.constant 3 : i32
            %add3A_131 = arith.addi %add3A_92, %add3A_130 : i32
            %mul3A_132 = arith.constant 16 : i32
            %mul3A_133 = arith.muli %add3A_131, %mul3A_132 : i32
            %add3A_134 = arith.addi %mul3A_133, %arg1 : i32
            %mul3A_135 = arith.constant 128 : i32
            %mul3A_136 = arith.muli %add3A_134, %mul3A_135 : i32
            %dma_start3A = tpu.memref_slice %arg6[%mul3A_136] : memref<320000xi32, #tpu.memory_space<hbm>> -> memref<128xi32, #tpu.memory_space<hbm>>
            %dma_start3A_137 = tpu.memref_slice %arg6[%mul3A_136] : memref<320000xi32, #tpu.memory_space<hbm>> -> memref<128xi32, #tpu.memory_space<hbm>>
            tpu.enqueue_dma source(%dma_start3A_137 : memref<128xi32, #tpu.memory_space<hbm>>) target(%arg14 : memref<128xi32, #tpu.memory_space<vmem>>) target_semaphore(%arg24 : memref<!tpu.dma_semaphore, #tpu.memory_space<semaphore_mem>>)
            %add3A_138 = arith.constant 3 : i32
            %add3A_139 = arith.addi %add3A_92, %add3A_138 : i32
            %mul3A_140 = arith.constant 16 : i32
            %mul3A_141 = arith.muli %add3A_139, %mul3A_140 : i32
            %add3A_142 = arith.addi %mul3A_141, %arg1 : i32
            %mul3A_143 = arith.constant 128 : i32
            %mul3A_144 = arith.muli %add3A_142, %mul3A_143 : i32
            %dma_wait3A_145 = tpu.memref_slice %arg5[%mul3A_144] : memref<320000xi32, #tpu.memory_space<hbm>> -> memref<128xi32, #tpu.memory_space<hbm>>
            %dma_wait3A_146 = tpu.memref_slice %arg5[%mul3A_144] : memref<320000xi32, #tpu.memory_space<hbm>> -> memref<128xi32, #tpu.memory_space<hbm>>
            tpu.wait_dma2 semaphore(%arg21 : memref<!tpu.dma_semaphore, #tpu.memory_space<semaphore_mem>>) src(%dma_wait3A_146 : memref<128xi32, #tpu.memory_space<hbm>>) dst(%arg11 : memref<128xi32, #tpu.memory_space<vmem>>)
            %dma_start3A_147 = arith.constant 0 : i32
            %dma_start3A_148 = arith.constant 0 : i32
            %dma_start3A_149 = tpu.memref_slice %arg2[%dma_start3A_147, %dma_start3A_148] : memref<10000x128xf32, #tpu.memory_space<hbm>> -> memref<10000x128xf32, #tpu.memory_space<hbm>>
            tpu.enqueue_indirect_dma source(%dma_start3A_149 : memref<10000x128xf32, #tpu.memory_space<hbm>>) target(%arg17 : memref<128x128xf32, #tpu.memory_space<vmem>>) offsets(%arg11 : memref<128xi32, #tpu.memory_space<vmem>>) semaphore(%arg27 : memref<!tpu.dma_semaphore, #tpu.memory_space<semaphore_mem>>)
          } else {
          }
        } else {
        }
      }
      %scan3A_57 = arith.constant 53 : i32
      %barrier3A_58 = arith.constant 0 : index
      tpu.barrier barrier_id(%barrier3A_58)
      "tpu.region"() ({
        %run_scoped3A = tpu.sem_alloc : memref<!tpu.dma_semaphore, #tpu.memory_space<semaphore_mem>>
        %dma_start3A = arith.constant 0 : i32
        %dma_start3A_64 = tpu.memref_slice %arg8[%mul3A_7, %dma_start3A] : memref<10000x128xf32, #tpu.memory_space<hbm>> -> memref<624x128xf32, #tpu.memory_space<hbm>>
        %dma_start3A_65 = arith.constant 0 : i32
        %dma_start3A_66 = tpu.memref_slice %arg18[%mul3A_7, %dma_start3A_65] : memref<10000x128xf32, #tpu.memory_space<vmem_shared>> -> memref<624x128xf32, #tpu.memory_space<vmem_shared>>
        tpu.enqueue_dma source(%dma_start3A_66 : memref<624x128xf32, #tpu.memory_space<vmem_shared>>) target(%dma_start3A_64 : memref<624x128xf32, #tpu.memory_space<hbm>>) target_semaphore(%run_scoped3A : memref<!tpu.dma_semaphore, #tpu.memory_space<semaphore_mem>>)
        %dma_wait3A = arith.constant 0 : i32
        %dma_wait3A_67 = tpu.memref_slice %arg8[%mul3A_7, %dma_wait3A] : memref<10000x128xf32, #tpu.memory_space<hbm>> -> memref<624x128xf32, #tpu.memory_space<hbm>>
        %dma_wait3A_68 = arith.constant 0 : i32
        %dma_wait3A_69 = tpu.memref_slice %arg18[%mul3A_7, %dma_wait3A_68] : memref<10000x128xf32, #tpu.memory_space<vmem_shared>> -> memref<624x128xf32, #tpu.memory_space<vmem_shared>>
        tpu.wait_dma2 semaphore(%run_scoped3A : memref<!tpu.dma_semaphore, #tpu.memory_space<semaphore_mem>>) src(%dma_wait3A_69 : memref<624x128xf32, #tpu.memory_space<vmem_shared>>) dst(%dma_wait3A_67 : memref<624x128xf32, #tpu.memory_space<hbm>>)
        tpu.yield
      }) : () -> ()
      %eq3A_59 = arith.constant 15 : i32
      %eq3A_60 = arith.cmpi eq, %arg1, %eq3A_59 : i32
      %convert_element_type3A_61 = arith.extui %eq3A_60 : i1 to i32
      %cond3A_62 = arith.constant 0 : i32
      %cond3A_63 = arith.cmpi ne, %convert_element_type3A_61, %cond3A_62 : i32
      scf.if %cond3A_63 {
        "tpu.region"() ({
          %run_scoped3A = tpu.sem_alloc : memref<!tpu.dma_semaphore, #tpu.memory_space<semaphore_mem>>
          %dma_start3A = arith.constant 9984 : i32
          %dma_start3A_64 = arith.constant 0 : i32
          %dma_start3A_65 = tpu.memref_slice %arg8[%dma_start3A, %dma_start3A_64] : memref<10000x128xf32, #tpu.memory_space<hbm>> -> memref<16x128xf32, #tpu.memory_space<hbm>>
          %dma_start3A_66 = arith.constant 9984 : i32
          %dma_start3A_67 = arith.constant 0 : i32
          %dma_start3A_68 = tpu.memref_slice %arg18[%dma_start3A_66, %dma_start3A_67] : memref<10000x128xf32, #tpu.memory_space<vmem_shared>> -> memref<16x128xf32, #tpu.memory_space<vmem_shared>>
          tpu.enqueue_dma source(%dma_start3A_68 : memref<16x128xf32, #tpu.memory_space<vmem_shared>>) target(%dma_start3A_65 : memref<16x128xf32, #tpu.memory_space<hbm>>) target_semaphore(%run_scoped3A : memref<!tpu.dma_semaphore, #tpu.memory_space<semaphore_mem>>)
          %dma_wait3A = arith.constant 9984 : i32
          %dma_wait3A_69 = arith.constant 0 : i32
          %dma_wait3A_70 = tpu.memref_slice %arg8[%dma_wait3A, %dma_wait3A_69] : memref<10000x128xf32, #tpu.memory_space<hbm>> -> memref<16x128xf32, #tpu.memory_space<hbm>>
          %dma_wait3A_71 = arith.constant 9984 : i32
          %dma_wait3A_72 = arith.constant 0 : i32
          %dma_wait3A_73 = tpu.memref_slice %arg18[%dma_wait3A_71, %dma_wait3A_72] : memref<10000x128xf32, #tpu.memory_space<vmem_shared>> -> memref<16x128xf32, #tpu.memory_space<vmem_shared>>
          tpu.wait_dma2 semaphore(%run_scoped3A : memref<!tpu.dma_semaphore, #tpu.memory_space<semaphore_mem>>) src(%dma_wait3A_73 : memref<16x128xf32, #tpu.memory_space<vmem_shared>>) dst(%dma_wait3A_70 : memref<16x128xf32, #tpu.memory_space<hbm>>)
          tpu.yield
        }) : () -> ()
      } else {
      }
    } else {
    }
    return
  }
}

</mosaic_0001>

<sc_bundles>
// kernel: _sc_segment.3.cloned.1.call-start
scs
__scs_entry_jumppad:
0x0: {  	(pc) =	sbr.rel $0x88, $3  }
0x1: {  	(tag) =	ssettag $0x0;
	lr =	simm.s32 $0x1  }
0x2: {  	[smem:$0x3F9C] =	sst lr;
	_ =	strace $0xD0000000  }
0x3: {  	_ = 	snop  }
0x4: {  	_ = 	snop  }
0x5: {  	_ = 	snop  }
0x6: {  	_ = 	snop  }
0x7: {  	_ = 	snop  }
__scs_overlays_trampoline_lowered:
0x8: {  	[smem:$0x3FAB] =	sst s0  }
0x9: {  	[smem:$0x3FAC] =	sst s1  }
0xa: {  	[smem:$0x3FAD] =	sst s2  }
0xb: {  	[smem:$0x3FAE] =	sst s3  }
0xc: {  	[smem:$0x3FAF] =	sst s4  }
0xd: {  	[smem:$0x3FB0] =	sst s5  }
0xe: {  	[smem:$0x3FB1] =	sst s6  }
0xf: {  	[smem:$0x3FB2] =	sst s7  }
0x10: {  	[smem:$0x3FB3] =	sst s8  }
0x11: {  	[smem:$0x3FB4] =	sst s9;
	s0 =	simm.s32 @!p0 $0x0  }
0x12: {  	s1 =	sld [smem:$0x3F9A];
	s0 =	simm.s32 @p0 $0x1  }
0x13: {  	[smem:$0x3FB5] =	sst s0;
	s0 =	simm.s32 @!p1 $0x0  }
0x14: {  	s2 =	sld [smem:$0x3F99];
	s0 =	simm.s32 @p1 $0x1  }
0x15: {  	[smem:$0x3FB6] =	sst s0;
	s0 =	simm.s32 @!p2 $0x0  }
0x16: {  	s3 =	sld [smem:$0x3FDB];
	s0 =	simm.s32 @p2 $0x1  }
0x17: {  	s4 =	simm.s32 $0x1BF5;
	[smem:$0x3FB8] =	sst s0  }
0x18: {  	s0 =	sld [smem:$0x3F9B];
	_ =	swait.ge [sflag:s4], $0x0  }
0x19: {  	s7 =	sld [smem:$0x3F9C]  }
0x1a: {  	s8 =	sadd.s32 $0xFFFFE003, lr  }
0x1b: {  	s9 =	sadd.s32 $0xFFFFFEF7, lr;
	s5 =	simm.s32 $0xFFFFFFFF;
	p2 =	slt.u32 s8, $0xFFFFF086  }
0x1c: {  	p1 =	slt.u32 s9, $0xF7A;
	s5 =	simm.s32 @!p2 $0x0  }
0x1d: {  	s5 =	simm.s32 @p1 $0x1;
	p0 =	seq.s32 s7, s2  }
0x1e: {  	s7 =	smul.u32 @!p0 $0xF7A, s2;
	p2 =	seq.s32 @!p0 s5, $0x0  }
0x1f: {  	s9 =	smul.u32 $0xF7A, s1;
	s8 =	simm.s32 @!p0 $0x1BF5;
	p2 =	por !p2, p0  }
0x20: {  	[sflag:s8] =	ssyncset.s32 @!p0 $0xFFFFF086;
	s6 =	sadd.s32 @!p0 s3, s7;
	s7 =	simm.s32 @!p0 $0x108  }
0x21: {  	s3 =	sadd.s32 s3, s9;
	s6 =	sadd.s32 @!p0 $0x88, s6;
	s7 =	simm.s32 @p2 $0x1082  }
0x22: {  	[simem:s7], [sflag:s8] =	dma.local @!p0 [hbm:s6], $0xF7A  }
0x23: {  	s9 =	sor.u32 $0xD0000000, s2;
	s6 =	simm.s32 $0x108;
	_ =	swait.ge @!p0 [sflag:s8], $0x0  }
0x24: {  	s3 =	sadd.s32 $0x88, s3;
	s6 =	simm.s32 @!p1 $0x1082;
	[sflag:s4] =	ssyncset.s32 $0xFFFFF086  }
0x25: {  	[simem:s6], [sflag:s4] =	dma.local [hbm:s3], $0xF7A  }
0x26: {  	[smem:$0x3F9C] =	sst s1;
	(tag) =	ssettag s2;
	_ =	strace s9  }
0x27: {  	s1 =	sld [smem:$0x3FAC]  }
0x28: {  	s2 =	sld [smem:$0x3FAD]  }
0x29: {  	s4 =	sld [smem:$0x3FAF]  }
0x2a: {  	p0 =	seq.s32 s5, $0x0;
	s5 =	sld [smem:$0x3FB0]  }
0x2b: {  	s6 =	sld [smem:$0x3FB1]  }
0x2c: {  	s7 =	sld [smem:$0x3FB2]  }
0x2d: {  	s3 =	simm.s32 $0x108;
	s8 =	sld [smem:$0x3FB3]  }
0x2e: {  	s3 =	simm.s32 @!p0 $0x1082;
	s9 =	sld [smem:$0x3FB4]  }
0x2f: {  	lr =	sadd.s32 s0, s3;
	s0 =	sld [smem:$0x3FAB]  }
0x30: {  	s3 =	sld [smem:$0x3FAE]  }
0x31: {  	[smem:$0x3FB7] =	sst s10  }
0x32: {  	s10 =	sld [smem:$0x3FB5];
	_ =	sdelay $0x3  }
0x33: {  	p0 =	seq.s32 s10, $0x1;
	s10 =	sld [smem:$0x3FB7];
	_ =	sdelay $0x3  }
0x34: {  	[smem:$0x3FB7] =	sst s10  }
0x35: {  	s10 =	sld [smem:$0x3FB6];
	_ =	sdelay $0x3  }
0x36: {  	p1 =	seq.s32 s10, $0x1;
	s10 =	sld [smem:$0x3FB7];
	_ =	sdelay $0x3  }
0x37: {  	[smem:$0x3FB7] =	sst s10  }
0x38: {  	s10 =	sld [smem:$0x3FB8]  }
0x39: {  	_ = 	snop;
	(pc) =	sbr.ind lr, $3  }
0x3a: {  	_ = 	snop  }
0x3b: {  	_ = 	snop  }
0x3c: {  	p2 =	seq.s32 s10, $0x1;
	s10 =	sld [smem:$0x3FB7]  }
0x3d: {  	_ =	shalt  }
0x3e: {  	_ =	shalt  }
0x3f: {  	_ =	shalt  }
0x40: {  	_ =	shalt  }
0x41: {  	_ =	shalt  }
0x42: {  	_ =	shalt  }
0x43: {  	_ =	shalt  }
0x44: {  	_ =	shalt  }
0x45: {  	_ =	shalt  }
0x46: {  	_ =	shalt  }
0x47: {  	_ =	shalt  }
0x48: {  	_ =	shalt  }
0x49: {  	_ =	shalt  }
0x4a: {  	_ =	shalt  }
0x4b: {  	_ =	shalt  }
0x4c: {  	_ =	shalt  }
0x4d: {  	_ =	shalt  }
0x4e: {  	_ =	shalt  }
0x4f: {  	_ =	shalt  }
0x50: {  	_ =	shalt  }
0x51: {  	_ =	shalt  }
0x52: {  	_ =	shalt  }
0x53: {  	_ =	shalt  }
0x54: {  	_ =	shalt  }
0x55: {  	_ =	shalt  }
0x56: {  	_ =	shalt  }
0x57: {  	_ =	shalt  }
0x58: {  	_ =	shalt  }
0x59: {  	_ =	shalt  }
0x5a: {  	_ =	shalt  }
0x5b: {  	_ =	shalt  }
0x5c: {  	_ =	shalt  }
0x5d: {  	_ =	shalt  }
0x5e: {  	_ =	shalt  }
0x5f: {  	_ =	shalt  }
0x60: {  	_ =	shalt  }
0x61: {  	_ =	shalt  }
0x62: {  	_ =	shalt  }
0x63: {  	_ =	shalt  }
0x64: {  	_ =	shalt  }
0x65: {  	_ =	shalt  }
0x66: {  	_ =	shalt  }
0x67: {  	_ =	shalt  }
0x68: {  	_ =	shalt  }
0x69: {  	_ =	shalt  }
0x6a: {  	_ =	shalt  }
0x6b: {  	_ =	shalt  }
0x6c: {  	_ =	shalt  }
0x6d: {  	_ =	shalt  }
0x6e: {  	_ =	shalt  }
0x6f: {  	_ =	shalt  }
0x70: {  	_ =	shalt  }
0x71: {  	_ =	shalt  }
0x72: {  	_ =	shalt  }
0x73: {  	_ =	shalt  }
0x74: {  	_ =	shalt  }
0x75: {  	_ =	shalt  }
0x76: {  	_ =	shalt  }
0x77: {  	_ =	shalt  }
0x78: {  	_ =	shalt  }
0x79: {  	_ =	shalt  }
0x7a: {  	_ =	shalt  }
0x7b: {  	_ =	shalt  }
0x7c: {  	_ =	shalt  }
0x7d: {  	_ =	shalt  }
0x7e: {  	_ =	shalt  }
0x7f: {  	_ =	shalt  }
0x80: {  	_ =	shalt  }
0x81: {  	_ =	shalt  }
0x82: {  	_ =	shalt  }
0x83: {  	_ =	shalt  }
0x84: {  	_ =	shalt  }
0x85: {  	_ =	shalt  }
0x86: {  	_ =	shalt  }
0x87: {  	_ =	shalt  }
.Lfunc_end0:
.L_simem_size_0:
called_computation_lowered:
.L_overlay_start_0:
0x88: {  	s2 =	sld [smem:$0x3FD9]  }
0x89: {  	s3 =	sld [smem:$0x3FFE];
	_ =	sdelay $0x1  }
0x8a: {  	s1 =	srdreg.scid  }
0x8b: {  	s0 =	sand.u32 $0x1, s1  }
0x8c: {  	s15 =	sshll.u32 s0, $0xA;
	s2 =	sadd.s32 s3, s2  }
0x8d: {  	s2 =	sadd.s32 s2, s15  }
0x8e: {  	[smem:$0x3FC3] =	sst s2  }
0x8f: {  	_ = 	snop  }
0x90: {  	s2 =	sld [smem:$0x3FC9]  }
0x91: {  	s16 =	sld [smem:$0x3FC8]  }
0x92: {  	s4 =	sld [smem:$0x3FD0]  }
0x93: {  	s5 =	sld [smem:$0x3FC7]  }
0x94: {  	s6 =	sld [smem:$0x3FC6]  }
0x95: {  	s8 =	simm.s32 $0xA;
	s9 =	simm.s32 $0x10;
	s7 =	sld [smem:$0x3FC5]  }
0x96: {  	[smem:s9], [sflag:s8] =	dma.local [hbm:s4], $0x1  }
0x97: {  	_ =	swait.eq [sflag:s8], $0x1  }
0x98: {  	[sflag:s8] =	ssyncset.done $0x0  }
0x99: {  	s17 =	sld [smem:$0x10];
	[sflag:s8] =	ssyncadd.s32 $0xFFFFFFFF  }
0x9a: {  	s18 =	sld [smem:$0x11];
	(tm) =	ssettm $0x1  }
0x9b: {  	s19 =	sld [smem:$0x3FFB];
	_ =	sdelay $0x3  }
0x9c: {  	_ =	strace s19  }
0x9d: {  	s9 =	sld [smem:$0x3FFC];
	_ =	sdelay $0x3  }
0x9e: {  	_ =	strace s9  }
0x9f: {  	s9 =	sld [smem:$0x3FFD];
	_ =	sdelay $0x3  }
0xa0: {  	_ =	strace s9  }
0xa1: {  	_ =	strace $0x8FFFFFFF  }
0xa2: {  	s20 =	sld [smem:$0x3FDB];
	_ =	sdelay $0x1  }
0xa3: {  	s10 =	simm.s32 $_scs_section_size  }
0xa4: {  	s11 =	simm.s32 $_size__tile_overlayer_lowered;
	s12 =	simm.s32 $_tile_overlayer_lowered  }
0xa5: {  	s23 =	simm.s32 $0x1BFF;
	s22 =	sshll.u32 s12, $0x1;
	s9 =	sadd.s32 s10, s20  }
0xa6: {  	s13 =	simm.s32 $0x0;
	s21 =	sshll.u32 s11, $0x1;
	s11 =	sadd.s32 s22, s9  }
0xa7: {  	[timem:s13], [sflag:s23] =	dma.local [hbm:s11], s21  }
0xa8: {  	_ =	swait.ge [sflag:s23], s21  }
0xa9: {  	s10 =	ssub.s32 $0x0, s21;
	[sflag:s23] =	ssyncset.done $0x0  }
0xaa: {  	[sflag:s23] =	ssyncadd.s32 s10;
	_ =	sdelay $0x1  }
0xab: {  	s24 =	simm.s32 $0x1B8B  }
0xac: {  	_ =	swait.ge [sflag:s24], $0x1  }
0xad: {  	[sflag:s24] =	ssyncset.done $0x0  }
0xae: {  	s25 =	simm.s32 $0x1B8E;
	[sflag:s24] =	ssyncadd.s32 $0xFFFFFFFF  }
0xaf: {  	s26 =	simm.s32 $execute0_lowered;
	[smem:$0x3FD2] =	sst s25  }
0xb0: {  	s10 =	sshll.u32 s26, $0x1;
	_ =	strace $0x80000046;
	[dreg:$0x1] =	wrdreg $0xFFFFFFFF  }
0xb1: {  	s28 =	simm.s32 $_size_execute0_lowered;
	s9 =	sadd.s32 s9, s10;
	[dreg:$0x0] =	wrdreg $0x0  }
0xb2: {  	s10 =	sshll.u32 s28, $0x1;
	[dreg:$0x2] =	wrdreg s9  }
0xb3: {  	[dreg:$0x3] =	wrdreg s10  }
0xb4: {  	[dreg:$0x4] =	wrdreg $0xC0  }
0xb5: {  	_ =	task [dreg:s13], $0x5FFFF  }
0xb6: {  	[dreg:$0x1] =	wrdreg $0xFFFFFFFF  }
0xb7: {  	[dreg:$0x0] =	wrdreg $0x60  }
0xb8: {  	[dreg:$0x2] =	wrdreg s2  }
0xb9: {  	[dreg:$0x3] =	wrdreg s16  }
0xba: {  	[dreg:$0x4] =	wrdreg s5  }
0xbb: {  	[dreg:$0x5] =	wrdreg s6  }
0xbc: {  	[dreg:$0x6] =	wrdreg s7  }
0xbd: {  	[dreg:$0x7] =	wrdreg s17  }
0xbe: {  	[dreg:$0x8] =	wrdreg s18  }
0xbf: {  	[dreg:$0x9] =	wrdreg $0xC3000  }
0xc0: {  	[dreg:$0xa] =	wrdreg $0x9  }
0xc1: {  	_ =	task.clear_ibuf [dreg:s13], $0xBFFFF;
	_ =	strace $0x90000046  }
0xc2: {  	s29 =	simm.s32 $0x9;
	_ =	strace $0x80000048  }
0xc3: {  	_ =	swait.ge [sflag:s29], $0x1  }
0xc4: {  	[sflag:s29] =	ssyncadd.s32 $0xFFFFFFFF  }
0xc5: {  	_ =	strace $0x90000048  }
0xc6: {  	_ =	sfence  }
0xc7: {  	s30 =	sld [smem:$0x0];
	_ =	sdelay $0x2  }
0xc8: {  	s31 =	sshll.u32 s1, $0xD;
	s1 =	sshrl.u32 s1, $0x2  }
0xc9: {  	s3 =	sand.u32 $0x4000, s31;
	s1 =	sadd.s32 s1, s30  }
0xca: {  	s0 =	sor.u32 s3, s0;
	s1 =	sshll.u32 s1, $0x11  }
0xcb: {  	s0 =	sor.u32 s1, s0  }
0xcc: {  	s0 =	sadd.s32 $0x8F2B, s0  }
0xcd: {  	[sflag:s0] =	ssyncadd.remote.s32 $0x1  }
0xce: {  	_ =	sfence.sel $0xFFFF  }
0xcf: {  	[dreg:$0x0] =	wrdreg $0xFFFFFFFF;
	(pc) =	sbr.abs _section_cstart, $3  }
0xd0: {  	[dreg:$0x1] =	wrdreg $0xFFFFFFFF  }
0xd1: {  	_ =	task.clear_ibuf [dreg:s13], $0x2FFFF;
	_ =	strace $0x9FFFFFFF  }
0xd2: {  	(tm) =	ssettm $0x7FFFFFFF  }
0xd3: {  	_ =	shalt  }
tec
execute0_lowered:
.L_overlay_start_1:
0x0: {  	(tag) =	ssettag $0x1  }
0x1: {  	s0 =	rddreg [dreg:$0x0]  }
0x2: {  	s1 =	rddreg [dreg:$0x1]  }
0x3: {  	s2 =	rddreg [dreg:$0x2]  }
0x4: {  	s3 =	rddreg [dreg:$0x3]  }
0x5: {  	s7 =	rddreg [dreg:$0x4]  }
0x6: {  	s16 =	rddreg [dreg:$0x5]  }
0x7: {  	s19 =	rddreg [dreg:$0x6]  }
0x8: {  	s5 =	rddreg [dreg:$0x7]  }
0x9: {  	s8 =	srdreg.scid;
	s6 =	simm.s32 $0x0;
	s4 =	stileid.u32  }
0xa: {  	s31 =	simm.s32 $0xA;
	s8 =	sand.u32 $0x1, s8;
	s10 =	smul.u32 $0x4E000, s4  }
0xb: {  	[smem:$0x7FF] =	sst s6;
	s13 =	smul.u32 $0x2700, s4;
	s22 =	sshll.u32 s4, $0x4  }
0xc: {  	s24 =	sadd.s32 $0x138000, s5;
	p1 =	sne.s32 s4, $0xF;
	p2 =	seq.s32 s4, $0xF  }
0xd: {  	s28 =	ssub.s32 $0x9C4, s4;
	s29 =	ssub.s32 $0x9B4, s4;
	s30 =	ssub.s32 $0x9A4, s4  }
0xe: {  	s9 =	ssub.s32 $0x2, s8;
	_ =	strace $0x80000047;
	p0 =	seq.s32 s8, $0x1  }
0xf: {  	[dreg:$0xb] =	wrdreg s24;
	s14 =	sor.u32 $0x100, s22;
	s23 =	sadd.s32 s0, s13  }
0x10: {  	s15 =	sor.u32 $0x200, s22;
	s25 =	sadd.s32 s1, s14;
	[dreg:$0xa] =	wrdreg s23  }
0x11: {  	s20 =	sshrl.u32 s10, $0x2;
	s26 =	sadd.s32 s2, s14;
	[dreg:$0xc] =	wrdreg s25  }
0x12: {  	s10 =	sadd.s32 s1, s22;
	s1 =	sadd.s32 s1, s15;
	[dreg:$0xd] =	wrdreg s26  }
0x13: {  	s11 =	sshrl.u32 s9, $0x1;
	s24 =	sadd.s32 s19, s13;
	[dreg:$0xe] =	wrdreg s1  }
0x14: {  	s12 =	ssub.s32 s9, s11;
	s21 =	sadd.s32 s20, s5;
	[dreg:$0x15] =	wrdreg s24  }
0x15: {  	s11 =	sadd.s32 s2, s22;
	s2 =	sadd.s32 s2, s15;
	[dreg:$0x9] =	wrdreg s21  }
0x16: {  	s17 =	sadd.s32 s3, s22;
	s9 =	sadd.s32 s16, s13;
	[dreg:$0xf] =	wrdreg s2  }
0x17: {  	s18 =	sadd.s32 s7, s22;
	s16 =	sadd.s32 s3, s14;
	[dreg:$0x10] =	wrdreg s9  }
0x18: {  	s20 =	sadd.s32 s7, s14;
	s22 =	sadd.s32 s7, s15;
	[dreg:$0x11] =	wrdreg s16  }
0x19: {  	s23 =	sshll.u32 s4, $0x6;
	s1 =	simm.s32 @!p2 $0x0;
	[dreg:$0x12] =	wrdreg s20  }
.Ltmp0:
0x1a: {  	s26 =	sadd.s32 $0x27000, s0;
	[dreg:$0x14] =	wrdreg s22;
	(pc) =	sbr.rel .LBB2_1-.Ltmp0, $4  }
0x1b: {  	s13 =	simm.s32 $0x3;
	s21 =	sadd.s32 s3, s15;
	[dreg:$0x17] =	wrdreg s26  }
0x1c: {  	s25 =	smax.u32 s12, $0x1;
	s1 =	simm.s32 @p2 $0x1;
	[dreg:$0x13] =	wrdreg s21  }
0x1d: {  	s2 =	simm.s32 $0x80;
	s3 =	simm.s32 $0x1;
	[dreg:$0x16] =	wrdreg s25  }
0x1e: {  	s12 =	simm.s32 $0x2;
	s25 =	sor.u32 $0x1C0A, s23;
	[smem:$0x7FD] =	sst s1  }
.LBB2_8:
0x1f: {  	s7 =	rddreg [dreg:$0xb]  }
0x20: {  	s1 =	sadd.s32 $0x27000, s1;
	s7 =	sshrl.u32 s7, $0x3  }
0x21: {  	[hbm:s1], [sflag:s25] =	dma.local [spmem:s7], $0x100  }
0x22: {  	_ =	swait.ge [sflag:s31], $0x100  }
0x23: {  	[sflag:s31] =	ssyncset.done $0x0  }
0x24: {  	[sflag:s31] =	ssyncadd.s32 $0xFFFFFF00  }
.LBB2_9:
0x25: {  	s6 =	sadd.s32 $0x1, s6;
	s1 =	rddreg [dreg:$0x16]  }
0x26: {  	p2 =	sne.s32 s6, s1  }
.Ltmp1:
0x27: {  	_ = 	snop;
	(pc) =	sbr.rel @!p2 .LBB2_10-.Ltmp1, $1  }
0x28: {  	_ =	sdelay $0x3  }
.LBB2_1:
0x29: {  	s1 =	rddreg [dreg:$0x9]  }
.Ltmp2:
0x2a: {  	s26 =	rddreg [dreg:$0xa];
	s14 =	sshrl.u32 s1, $0x3;
	(pc) =	sbr.rel @!p0 .LBB2_2-.Ltmp2, $4  }
0x2b: {  	[spmem:s14], [sflag:s25] =	dma.local [hbm:s26], $0x2700  }
0x2c: {  	_ =	swait.ge [sflag:s31], $0x2700  }
0x2d: {  	[sflag:s31] =	ssyncset.done $0x0;
	s1 =	rddreg [dreg:$0xb]  }
0x2e: {  	[sflag:s31] =	ssyncadd.s32 $0xFFFFD900;
	s1 =	sshrl.u32 @!p1 s1, $0x3  }
0x2f: {  	s7 =	rddreg [dreg:$0x17]  }
0x30: {  	[spmem:s1], [sflag:s25] =	dma.local @!p1 [hbm:s7], $0x100  }
0x31: {  	s1 =	simm.s32 @!p1 $0xA  }
0x32: {  	_ =	swait.ge @!p1 [sflag:s1], $0x100  }
0x33: {  	[sflag:s1] =	ssyncset.done @!p1 $0x0  }
0x34: {  	[sflag:s1] =	ssyncadd.s32 @!p1 $0xFFFFFF00  }
0x35: {  	s26 =	simm.s32 $0x0;
	[bflag:$0x0] =	sbarrier.arrive $0xFFFF  }
0x36: {  	[tilespmem:s26], [sflag:$0x1] =	stream.linear.gather [hbm4b:s17+s26], $0x80, $0x38;
	[tilespmem:$0x1FB80] =	vst v63  }
0x37: {  	s15 =	simm.s32 $0x180  }
0x38: {  	[tilespmem:s15], [sflag:$0x4] =	stream.linear.gather [hbm4b:s18+s26], $0x80, $0x38;
	[tilespmem:$0x1FB80] =	vst v63  }
0x39: {  	s16 =	rddreg [dreg:$0x11]  }
0x3a: {  	[tilespmem:s2], [sflag:$0x2] =	stream.linear.gather [hbm4b:s16+s26], $0x80, $0x38;
	[tilespmem:$0x1FB80] =	vst v63  }
0x3b: {  	s8 =	simm.s32 $0x200;
	s19 =	rddreg [dreg:$0x12]  }
0x3c: {  	[tilespmem:s8], [sflag:$0x5] =	stream.linear.gather [hbm4b:s19+s26], $0x80, $0x38;
	[tilespmem:$0x1FB80] =	vst v63  }
0x3d: {  	s21 =	simm.s32 $0x100;
	s20 =	rddreg [dreg:$0x13]  }
0x3e: {  	[tilespmem:s21], [sflag:$0x3] =	stream.linear.gather [hbm4b:s20+s26], $0x80, $0x38;
	[tilespmem:$0x1FB80] =	vst v63  }
0x3f: {  	s9 =	simm.s32 $0x280;
	s22 =	rddreg [dreg:$0x14]  }
0x40: {  	[tilespmem:s9], [sflag:$0x6] =	stream.linear.gather [hbm4b:s22+s26], $0x80, $0x38;
	[tilespmem:$0x1FB80] =	vst v63  }
0x41: {  	_ =	swait.ge [sflag:s3], $0x80  }
0x42: {  	[sflag:s3] =	ssyncset.done $0x0  }
0x43: {  	s23 =	simm.s32 $0x300;
	[sflag:s3] =	ssyncadd.s32 $0xFFFFFF80  }
0x44: {  	[tilespmem:s23], [sflag:$0x7] =	stream.indirect.gather [hbm4b:s0+s2], $0x80, s26, s2, $0xb8;
	[tilespmem:$0x1FB80] =	vst v63  }
0x45: {  	_ =	swait.ge [sflag:s12], $0x80  }
0x46: {  	[sflag:s12] =	ssyncset.done $0x0  }
0x47: {  	s24 =	simm.s32 $0x4300;
	[sflag:s12] =	ssyncadd.s32 $0xFFFFFF80  }
0x48: {  	[tilespmem:s24], [sflag:$0x8] =	stream.indirect.gather [hbm4b:s0+s2], $0x80, s2, s2, $0xb8;
	[tilespmem:$0x1FB80] =	vst v63  }
0x49: {  	p3 =	sle.u32 s28, $0x0;
	_ =	swait.ge [sflag:s13], $0x80  }
0x4a: {  	s7 =	simm.s32 @!p3 $0x7;
	s1 =	sadd.s32 @!p3 $0x0, s4;
	[sflag:s13] =	ssyncset.done $0x0  }
0x4b: {  	s1 =	sadd.s32 @!p3 $0x30, s1;
	s26 =	simm.s32 $0x8300;
	[sflag:s13] =	ssyncadd.s32 $0xFFFFFF80  }
0x4c: {  	[tilespmem:s26], [sflag:$0x9] =	stream.indirect.gather [hbm4b:s0+s2], $0x80, s21, s2, $0xb8;
	[tilespmem:$0x1FB80] =	vst v63  }
0x4d: {  	p4 =	sgt.u32 @!p3 s1, $0x9C3;
	_ =	swait.ge @!p3 [sflag:s7], $0x4000  }
0x4e: {  	p2 =	por !p4, p3;
	[sflag:s7] =	ssyncset.done @!p3 $0x0  }
0x4f: {  	s1 =	simm.s32 @!p2 $0x4;
	[sflag:s7] =	ssyncadd.s32 @!p3 $0xFFFFC000  }
0x50: {  	_ =	swait.ge @!p2 [sflag:s1], $0x80  }
0x51: {  	s15 =	simm.s32 @!p2 $0x180;
	s8 =	simm.s32 @!p2 $0xA;
	[sflag:s1] =	ssyncset.done @!p2 $0x0  }
0x52: {  	s9 =	simm.s32 @!p2 $0x80;
	s7 =	simm.s32 @!p2 $0x300;
	[sflag:s1] =	ssyncadd.s32 @!p2 $0xFFFFFF80  }
0x53: {  	[spmem:s5] =	stream.indirect.scatter.add.f32 @!p2 [tilespmem:s7], [sflag:$0xA], $0x80, s15, s9, $0xb8;
	[tilespmem:$0x1FB80] =	vst v63  }
0x54: {  	p3 =	por p4, p3;
	_ =	swait.ge @!p2 [sflag:s8], $0x4000  }
0x55: {  	s1 =	sadd.s32 @!p3 $0x0, s17;
	s7 =	simm.s32 @!p3 $0x4;
	[sflag:s8] =	ssyncset.done @!p2 $0x0  }
0x56: {  	s1 =	sadd.s32 @!p3 $0x300, s1;
	s9 =	simm.s32 @!p3 $0x0;
	[sflag:s8] =	ssyncadd.s32 @!p2 $0xFFFFC000  }
0x57: {  	[tilespmem:s9], [sflag:$0x1] =	stream.linear.gather @!p3 [hbm4b:s1+s9], $0x80, $0x38;
	[tilespmem:$0x1FB80] =	vst v63  }
0x58: {  	_ =	swait.ge @!p3 [sflag:s7], $0x80  }
0x59: {  	s16 =	simm.s32 @!p3 $0x180;
	s15 =	simm.s32 @!p3 $0x80;
	[sflag:s7] =	ssyncset.done @!p3 $0x0  }
0x5a: {  	s8 =	simm.s32 @!p3 $0xA;
	s1 =	simm.s32 @!p3 $0x300;
	[sflag:s7] =	ssyncadd.s32 @!p3 $0xFFFFFF80  }
0x5b: {  	[spmem:s5] =	stream.indirect.scatter.add.f32 @!p3 [tilespmem:s1], [sflag:$0xA], $0x80, s16, s15, $0xb8;
	[tilespmem:$0x1FB80] =	vst v63  }
0x5c: {  	_ =	swait.ge @!p3 [sflag:s8], $0x4000  }
0x5d: {  	s7 =	sadd.s32 @!p3 $0x0, s18;
	[sflag:s8] =	ssyncset.done @!p3 $0x0  }
0x5e: {  	s19 =	simm.s32 @!p3 $0x1;
	s7 =	sadd.s32 @!p3 $0x300, s7;
	[sflag:s8] =	ssyncadd.s32 @!p3 $0xFFFFC000  }
0x5f: {  	[tilespmem:s16], [sflag:$0x4] =	stream.linear.gather @!p3 [hbm4b:s7+s9], $0x80, $0x38;
	[tilespmem:$0x1FB80] =	vst v63  }
0x60: {  	p2 =	sle.u32 s29, $0x0;
	_ =	swait.ge @!p3 [sflag:s19], $0x80  }
0x61: {  	s7 =	sadd.s32 @!p2 $0x0, s4;
	[sflag:s19] =	ssyncset.done @!p3 $0x0  }
0x62: {  	s8 =	simm.s32 @!p2 $0x8;
	s7 =	sadd.s32 @!p2 $0x40, s7;
	[sflag:s19] =	ssyncadd.s32 @!p3 $0xFFFFFF80  }
0x63: {  	[tilespmem:s1], [sflag:$0x7] =	stream.indirect.gather @!p3 [hbm4b:s0+s15], $0x80, s9, s15, $0xb8;
	[tilespmem:$0x1FB80] =	vst v63  }
0x64: {  	p3 =	sgt.u32 @!p2 s7, $0x9C3;
	_ =	swait.ge @!p2 [sflag:s8], $0x4000  }
0x65: {  	p4 =	por !p3, p2;
	[sflag:s8] =	ssyncset.done @!p2 $0x0  }
0x66: {  	s1 =	simm.s32 @!p4 $0x5;
	[sflag:s8] =	ssyncadd.s32 @!p2 $0xFFFFC000  }
0x67: {  	_ =	swait.ge @!p4 [sflag:s1], $0x80  }
0x68: {  	s7 =	simm.s32 @!p4 $0x4300;
	s9 =	simm.s32 @!p4 $0x200;
	[sflag:s1] =	ssyncset.done @!p4 $0x0  }
0x69: {  	s8 =	simm.s32 @!p4 $0xA;
	[sflag:s1] =	ssyncadd.s32 @!p4 $0xFFFFFF80;
	s1 =	simm.s32 @!p4 $0x80  }
0x6a: {  	[spmem:s5] =	stream.indirect.scatter.add.f32 @!p4 [tilespmem:s7], [sflag:$0xA], $0x80, s9, s1, $0xb8;
	[tilespmem:$0x1FB80] =	vst v63  }
0x6b: {  	p3 =	por p3, p2;
	_ =	swait.ge @!p4 [sflag:s8], $0x4000  }
0x6c: {  	s1 =	sadd.s32 @!p3 $0x0, s17;
	s7 =	simm.s32 @!p3 $0x0;
	[sflag:s8] =	ssyncset.done @!p4 $0x0  }
0x6d: {  	s1 =	sadd.s32 @!p3 $0x400, s1;
	[sflag:s8] =	ssyncadd.s32 @!p4 $0xFFFFC000;
	s8 =	simm.s32 @!p3 $0x80  }
0x6e: {  	[tilespmem:s8], [sflag:$0x2] =	stream.linear.gather @!p3 [hbm4b:s1+s7], $0x80, $0x38;
	[tilespmem:$0x1FB80] =	vst v63  }
0x6f: {  	s1 =	simm.s32 @!p3 $0x5  }
0x70: {  	_ =	swait.ge @!p3 [sflag:s1], $0x80  }
0x71: {  	s15 =	simm.s32 @!p3 $0x4300;
	[sflag:s1] =	ssyncset.done @!p3 $0x0  }
0x72: {  	s9 =	simm.s32 @!p3 $0x200;
	[sflag:s1] =	ssyncadd.s32 @!p3 $0xFFFFFF80;
	s1 =	simm.s32 @!p3 $0xA  }
0x73: {  	[spmem:s5] =	stream.indirect.scatter.add.f32 @!p3 [tilespmem:s15], [sflag:$0xA], $0x80, s9, s8, $0xb8;
	[tilespmem:$0x1FB80] =	vst v63  }
0x74: {  	_ =	swait.ge @!p3 [sflag:s1], $0x4000  }
0x75: {  	s16 =	sadd.s32 @!p3 $0x0, s18;
	[sflag:s1] =	ssyncset.done @!p3 $0x0  }
0x76: {  	s16 =	sadd.s32 @!p3 $0x400, s16;
	[sflag:s1] =	ssyncadd.s32 @!p3 $0xFFFFC000;
	s1 =	simm.s32 @!p3 $0x2  }
0x77: {  	[tilespmem:s9], [sflag:$0x5] =	stream.linear.gather @!p3 [hbm4b:s16+s7], $0x80, $0x38;
	[tilespmem:$0x1FB80] =	vst v63  }
0x78: {  	p2 =	sle.u32 s30, $0x0;
	_ =	swait.ge @!p3 [sflag:s1], $0x80  }
0x79: {  	s7 =	sadd.s32 @!p2 $0x0, s4;
	[sflag:s1] =	ssyncset.done @!p3 $0x0  }
0x7a: {  	s7 =	sadd.s32 @!p2 $0x50, s7;
	[sflag:s1] =	ssyncadd.s32 @!p3 $0xFFFFFF80;
	s1 =	simm.s32 @!p2 $0x9  }
0x7b: {  	[tilespmem:s15], [sflag:$0x8] =	stream.indirect.gather @!p3 [hbm4b:s0+s8], $0x80, s8, s8, $0xb8;
	[tilespmem:$0x1FB80] =	vst v63  }
0x7c: {  	p4 =	sgt.u32 @!p2 s7, $0x9C3;
	_ =	swait.ge @!p2 [sflag:s1], $0x4000  }
0x7d: {  	p3 =	por !p4, p2;
	[sflag:s1] =	ssyncset.done @!p2 $0x0  }
0x7e: {  	[sflag:s1] =	ssyncadd.s32 @!p2 $0xFFFFC000;
	s1 =	simm.s32 @!p3 $0x6  }
0x7f: {  	p5 =	sle.u32 s28, $0x30;
	p4 =	por p4, p2;
	_ =	swait.ge @!p3 [sflag:s1], $0x80  }
0x80: {  	s7 =	simm.s32 @!p3 $0x8300;
	s8 =	simm.s32 @!p3 $0x80;
	[sflag:s1] =	ssyncset.done @!p3 $0x0  }
0x81: {  	s9 =	simm.s32 @!p3 $0x280;
	[sflag:s1] =	ssyncadd.s32 @!p3 $0xFFFFFF80;
	s1 =	simm.s32 @!p3 $0xA  }
0x82: {  	[spmem:s5] =	stream.indirect.scatter.add.f32 @!p3 [tilespmem:s7], [sflag:$0xA], $0x80, s9, s8, $0xb8;
	[tilespmem:$0x1FB80] =	vst v63  }
0x83: {  	s20 =	sadd.s32 @!p5 $0x30, s4;
	s21 =	simm.s32 @!p4 $0x100;
	_ =	swait.ge @!p3 [sflag:s1], $0x4000  }
0x84: {  	s23 =	simm.s32 @!p4 $0x0;
	s7 =	sadd.s32 @!p4 $0x0, s17;
	[sflag:s1] =	ssyncset.done @!p3 $0x0  }
0x85: {  	s8 =	simm.s32 @!p4 $0x6;
	s7 =	sadd.s32 @!p4 $0x500, s7;
	[sflag:s1] =	ssyncadd.s32 @!p3 $0xFFFFC000  }
0x86: {  	[tilespmem:s21], [sflag:$0x3] =	stream.linear.gather @!p4 [hbm4b:s7+s23], $0x80, $0x38;
	[tilespmem:$0x1FB80] =	vst v63  }
0x87: {  	s19 =	simm.s32 $0x600;
	s16 =	simm.s32 $0x30;
	_ =	swait.ge @!p4 [sflag:s8], $0x80  }
0x88: {  	s22 =	simm.s32 @!p4 $0x8300;
	s26 =	simm.s32 @!p4 $0xA;
	[sflag:s8] =	ssyncset.done @!p4 $0x0  }
0x89: {  	s1 =	simm.s32 @!p4 $0x280;
	s7 =	simm.s32 @!p4 $0x80;
	[sflag:s8] =	ssyncadd.s32 @!p4 $0xFFFFFF80  }
0x8a: {  	[spmem:s5] =	stream.indirect.scatter.add.f32 @!p4 [tilespmem:s22], [sflag:$0xA], $0x80, s1, s7, $0xb8;
	[tilespmem:$0x1FB80] =	vst v63  }
0x8b: {  	s15 =	simm.s32 $0x300;
	s9 =	sadd.s32 @!p4 $0x0, s18;
	_ =	swait.ge @!p4 [sflag:s26], $0x4000  }
0x8c: {  	s24 =	sadd.s32 @!p4 $0x500, s9;
	s8 =	simm.s32 @!p4 $0x3;
	[sflag:s26] =	ssyncset.done @!p4 $0x0  }
.LBB2_6:
0x8d: {  	s9 =	sadd.s32 @!p5 $0x30, s20  }
0x8e: {  	[sflag:s26] =	ssyncadd.s32 @!p4 $0xFFFFC000;
	s20 =	smov.u32 s19;
	s19 =	sadd.s32 $0x300, s19  }
0x8f: {  	[tilespmem:s1], [sflag:$0x6] =	stream.linear.gather @!p4 [hbm4b:s24+s23], $0x80, $0x38;
	[tilespmem:$0x1FB80] =	vst v63  }
0x90: {  	p3 =	sne.s32 s19, $0x9F00;
	p2 =	sgt.u32 @!p5 s9, $0x9C3;
	_ =	swait.ge @!p4 [sflag:s8], $0x80  }
0x91: {  	s1 =	simm.s32 @!p5 $0x7;
	p6 =	por !p2, p5;
	[sflag:s8] =	ssyncset.done @!p4 $0x0  }
0x92: {  	[sflag:s8] =	ssyncadd.s32 @!p4 $0xFFFFFF80  }
0x93: {  	[tilespmem:s22], [sflag:$0x9] =	stream.indirect.gather @!p4 [hbm4b:s0+s7], $0x80, s21, s7, $0xb8;
	[tilespmem:$0x1FB80] =	vst v63  }
0x94: {  	_ =	swait.ge @!p5 [sflag:s1], $0x4000  }
0x95: {  	s7 =	simm.s32 @!p6 $0x4;
	[sflag:s1] =	ssyncset.done @!p5 $0x0  }
0x96: {  	[sflag:s1] =	ssyncadd.s32 @!p5 $0xFFFFC000  }
0x97: {  	s8 =	simm.s32 @!p6 $0xA;
	s1 =	simm.s32 @!p6 $0x300;
	_ =	swait.ge @!p6 [sflag:s7], $0x80  }
0x98: {  	s9 =	simm.s32 @!p6 $0x80;
	s21 =	simm.s32 @!p6 $0x180;
	[sflag:s7] =	ssyncset.done @!p6 $0x0  }
0x99: {  	p4 =	por p2, p5;
	[sflag:s7] =	ssyncadd.s32 @!p6 $0xFFFFFF80  }
0x9a: {  	[spmem:s5] =	stream.indirect.scatter.add.f32 @!p6 [tilespmem:s1], [sflag:$0xA], $0x80, s21, s9, $0xb8;
	[tilespmem:$0x1FB80] =	vst v63  }
0x9b: {  	s7 =	simm.s32 @!p4 $0x4;
	s1 =	sadd.s32 @!p4 s15, s17;
	_ =	swait.ge @!p6 [sflag:s8], $0x4000  }
0x9c: {  	s9 =	simm.s32 @!p4 $0x0;
	s1 =	sadd.s32 @!p4 $0x300, s1;
	[sflag:s8] =	ssyncset.done @!p6 $0x0  }
0x9d: {  	[sflag:s8] =	ssyncadd.s32 @!p6 $0xFFFFC000;
	s8 =	sadd.s32 @!p4 s15, s18  }
0x9e: {  	[tilespmem:s9], [sflag:$0x1] =	stream.linear.gather @!p4 [hbm4b:s1+s9], $0x80, $0x38;
	[tilespmem:$0x1FB80] =	vst v63  }
0x9f: {  	s21 =	simm.s32 @!p4 $0xA;
	s1 =	simm.s32 @!p4 $0x300;
	_ =	swait.ge @!p4 [sflag:s7], $0x80  }
0xa0: {  	s22 =	simm.s32 @!p4 $0x80;
	s23 =	simm.s32 @!p4 $0x180;
	[sflag:s7] =	ssyncset.done @!p4 $0x0  }
0xa1: {  	[sflag:s7] =	ssyncadd.s32 @!p4 $0xFFFFFF80;
	s7 =	sadd.s32 @!p4 $0x300, s8  }
0xa2: {  	[spmem:s5] =	stream.indirect.scatter.add.f32 @!p4 [tilespmem:s1], [sflag:$0xA], $0x80, s23, s22, $0xb8;
	[tilespmem:$0x1FB80] =	vst v63  }
0xa3: {  	_ =	swait.ge @!p4 [sflag:s21], $0x4000  }
0xa4: {  	s8 =	simm.s32 @!p4 $0x1;
	[sflag:s21] =	ssyncset.done @!p4 $0x0  }
0xa5: {  	[sflag:s21] =	ssyncadd.s32 @!p4 $0xFFFFC000  }
0xa6: {  	[tilespmem:s23], [sflag:$0x4] =	stream.linear.gather @!p4 [hbm4b:s7+s9], $0x80, $0x38;
	[tilespmem:$0x1FB80] =	vst v63  }
0xa7: {  	p5 =	sge.u32 s16, s29;
	_ =	swait.ge @!p4 [sflag:s8], $0x80  }
0xa8: {  	s21 =	sadd.s32 @!p5 s16, s4;
	s7 =	simm.s32 @!p5 $0x8;
	[sflag:s8] =	ssyncset.done @!p4 $0x0  }
0xa9: {  	[sflag:s8] =	ssyncadd.s32 @!p4 $0xFFFFFF80;
	s8 =	sadd.s32 @!p5 $0x40, s21  }
0xaa: {  	[tilespmem:s1], [sflag:$0x7] =	stream.indirect.gather @!p4 [hbm4b:s0+s22], $0x80, s9, s22, $0xb8;
	[tilespmem:$0x1FB80] =	vst v63  }
0xab: {  	p4 =	sgt.u32 @!p5 s8, $0x9C3;
	_ =	swait.ge @!p5 [sflag:s7], $0x4000  }
0xac: {  	p2 =	por !p4, p5;
	[sflag:s7] =	ssyncset.done @!p5 $0x0  }
0xad: {  	s1 =	simm.s32 @!p2 $0x5;
	[sflag:s7] =	ssyncadd.s32 @!p5 $0xFFFFC000  }
0xae: {  	_ =	swait.ge @!p2 [sflag:s1], $0x80  }
0xaf: {  	s8 =	simm.s32 @!p2 $0xA;
	s7 =	simm.s32 @!p2 $0x4300;
	[sflag:s1] =	ssyncset.done @!p2 $0x0  }
0xb0: {  	s9 =	simm.s32 @!p2 $0x200;
	[sflag:s1] =	ssyncadd.s32 @!p2 $0xFFFFFF80;
	s1 =	simm.s32 @!p2 $0x80  }
0xb1: {  	[spmem:s5] =	stream.indirect.scatter.add.f32 @!p2 [tilespmem:s7], [sflag:$0xA], $0x80, s9, s1, $0xb8;
	[tilespmem:$0x1FB80] =	vst v63  }
0xb2: {  	p4 =	por p4, p5;
	_ =	swait.ge @!p2 [sflag:s8], $0x4000  }
0xb3: {  	s1 =	sadd.s32 @!p4 s15, s17;
	s7 =	simm.s32 @!p4 $0x0;
	[sflag:s8] =	ssyncset.done @!p2 $0x0  }
0xb4: {  	s1 =	sadd.s32 @!p4 $0x400, s1;
	[sflag:s8] =	ssyncadd.s32 @!p2 $0xFFFFC000;
	s8 =	simm.s32 @!p4 $0x80  }
0xb5: {  	[tilespmem:s8], [sflag:$0x2] =	stream.linear.gather @!p4 [hbm4b:s1+s7], $0x80, $0x38;
	[tilespmem:$0x1FB80] =	vst v63  }
0xb6: {  	s9 =	sadd.s32 @!p4 s15, s18;
	s1 =	simm.s32 @!p4 $0x5  }
0xb7: {  	s9 =	sadd.s32 @!p4 $0x400, s9;
	_ =	swait.ge @!p4 [sflag:s1], $0x80  }
0xb8: {  	s21 =	simm.s32 @!p4 $0x200;
	s22 =	simm.s32 @!p4 $0x4300;
	[sflag:s1] =	ssyncset.done @!p4 $0x0  }
0xb9: {  	[sflag:s1] =	ssyncadd.s32 @!p4 $0xFFFFFF80;
	s1 =	simm.s32 @!p4 $0xA  }
0xba: {  	[spmem:s5] =	stream.indirect.scatter.add.f32 @!p4 [tilespmem:s22], [sflag:$0xA], $0x80, s21, s8, $0xb8;
	[tilespmem:$0x1FB80] =	vst v63  }
0xbb: {  	_ =	swait.ge @!p4 [sflag:s1], $0x4000  }
0xbc: {  	[sflag:s1] =	ssyncset.done @!p4 $0x0  }
0xbd: {  	[sflag:s1] =	ssyncadd.s32 @!p4 $0xFFFFC000;
	s1 =	simm.s32 @!p4 $0x2  }
0xbe: {  	[tilespmem:s21], [sflag:$0x5] =	stream.linear.gather @!p4 [hbm4b:s9+s7], $0x80, $0x38;
	[tilespmem:$0x1FB80] =	vst v63  }
0xbf: {  	p5 =	sge.u32 s16, s30;
	_ =	swait.ge @!p4 [sflag:s1], $0x80  }
0xc0: {  	s7 =	sadd.s32 @!p5 s16, s4;
	[sflag:s1] =	ssyncset.done @!p4 $0x0  }
0xc1: {  	s7 =	sadd.s32 @!p5 $0x50, s7;
	[sflag:s1] =	ssyncadd.s32 @!p4 $0xFFFFFF80;
	s1 =	simm.s32 @!p5 $0x9  }
0xc2: {  	[tilespmem:s22], [sflag:$0x8] =	stream.indirect.gather @!p4 [hbm4b:s0+s8], $0x80, s8, s8, $0xb8;
	[tilespmem:$0x1FB80] =	vst v63  }
0xc3: {  	p4 =	sgt.u32 @!p5 s7, $0x9C3;
	_ =	swait.ge @!p5 [sflag:s1], $0x4000  }
0xc4: {  	p2 =	por !p4, p5;
	[sflag:s1] =	ssyncset.done @!p5 $0x0  }
0xc5: {  	s16 =	sadd.s32 $0x30, s16;
	[sflag:s1] =	ssyncadd.s32 @!p5 $0xFFFFC000;
	s1 =	simm.s32 @!p2 $0x6  }
0xc6: {  	p4 =	por p4, p5;
	s7 =	simm.s32 @!p2 $0x8300;
	_ =	swait.ge @!p2 [sflag:s1], $0x80  }
0xc7: {  	s8 =	simm.s32 @!p2 $0x80;
	s9 =	simm.s32 @!p2 $0x280;
	[sflag:s1] =	ssyncset.done @!p2 $0x0  }
0xc8: {  	s21 =	simm.s32 @!p4 $0x100;
	[sflag:s1] =	ssyncadd.s32 @!p2 $0xFFFFFF80;
	s1 =	simm.s32 @!p2 $0xA  }
0xc9: {  	[spmem:s5] =	stream.indirect.scatter.add.f32 @!p2 [tilespmem:s7], [sflag:$0xA], $0x80, s9, s8, $0xb8;
	[tilespmem:$0x1FB80] =	vst v63  }
0xca: {  	s23 =	simm.s32 @!p4 $0x0;
	s7 =	sadd.s32 @!p4 s15, s17;
	_ =	swait.ge @!p2 [sflag:s1], $0x4000  }
0xcb: {  	s22 =	simm.s32 @!p4 $0x8300;
	s7 =	sadd.s32 @!p4 $0x500, s7;
	[sflag:s1] =	ssyncset.done @!p2 $0x0  }
0xcc: {  	s8 =	simm.s32 @!p4 $0x6;
	[sflag:s1] =	ssyncadd.s32 @!p2 $0xFFFFC000;
	s1 =	sadd.s32 @!p4 s15, s18  }
0xcd: {  	[tilespmem:s21], [sflag:$0x3] =	stream.linear.gather @!p4 [hbm4b:s7+s23], $0x80, $0x38;
	[tilespmem:$0x1FB80] =	vst v63  }
0xce: {  	s24 =	sadd.s32 @!p4 $0x500, s1;
	s7 =	simm.s32 @!p4 $0x80;
	_ =	swait.ge @!p4 [sflag:s8], $0x80  }
.Ltmp3:
0xcf: {  	s1 =	simm.s32 @!p4 $0x280;
	[sflag:s8] =	ssyncset.done @!p4 $0x0;
	(pc) =	sbr.rel @p3 .LBB2_6-.Ltmp3, $4  }
0xd0: {  	s26 =	simm.s32 @!p4 $0xA;
	[sflag:s8] =	ssyncadd.s32 @!p4 $0xFFFFFF80;
	s8 =	simm.s32 @!p4 $0x3  }
0xd1: {  	[spmem:s5] =	stream.indirect.scatter.add.f32 @!p4 [tilespmem:s22], [sflag:$0xA], $0x80, s1, s7, $0xb8;
	[tilespmem:$0x1FB80] =	vst v63  }
0xd2: {  	p5 =	sge.u32 s16, s28;
	s15 =	smov.u32 s20;
	_ =	swait.ge @!p4 [sflag:s26], $0x4000  }
0xd3: {  	s20 =	sadd.s32 @!p5 s16, s4;
	[sflag:s26] =	ssyncset.done @!p4 $0x0  }
0xd4: {  	[sflag:s26] =	ssyncadd.s32 @!p4 $0xFFFFC000  }
0xd5: {  	[tilespmem:s1], [sflag:$0x6] =	stream.linear.gather @!p4 [hbm4b:s24+s23], $0x80, $0x38;
	[tilespmem:$0x1FB80] =	vst v63  }
0xd6: {  	_ =	swait.ge @!p4 [sflag:s8], $0x80  }
0xd7: {  	[sflag:s8] =	ssyncset.done @!p4 $0x0  }
0xd8: {  	s9 =	simm.s32 @!p5 $0x7;
	s1 =	sadd.s32 @!p5 $0x30, s20;
	[sflag:s8] =	ssyncadd.s32 @!p4 $0xFFFFFF80  }
0xd9: {  	[tilespmem:s22], [sflag:$0x9] =	stream.indirect.gather @!p4 [hbm4b:s0+s7], $0x80, s21, s7, $0xb8;
	[tilespmem:$0x1FB80] =	vst v63  }
0xda: {  	p3 =	sgt.u32 @!p5 s1, $0x9C3;
	_ =	swait.ge @!p5 [sflag:s9], $0x4000  }
0xdb: {  	p2 =	por !p3, p5;
	[sflag:s9] =	ssyncset.done @!p5 $0x0  }
0xdc: {  	s1 =	simm.s32 @!p2 $0x4;
	[sflag:s9] =	ssyncadd.s32 @!p5 $0xFFFFC000  }
0xdd: {  	_ =	swait.ge @!p2 [sflag:s1], $0x80  }
0xde: {  	s8 =	simm.s32 @!p2 $0xA;
	s19 =	simm.s32 @!p2 $0x180;
	[sflag:s1] =	ssyncset.done @!p2 $0x0  }
0xdf: {  	s7 =	simm.s32 @!p2 $0x300;
	s9 =	simm.s32 @!p2 $0x80;
	[sflag:s1] =	ssyncadd.s32 @!p2 $0xFFFFFF80  }
0xe0: {  	[spmem:s5] =	stream.indirect.scatter.add.f32 @!p2 [tilespmem:s7], [sflag:$0xA], $0x80, s19, s9, $0xb8;
	[tilespmem:$0x1FB80] =	vst v63  }
0xe1: {  	p3 =	por p3, p5;
	_ =	swait.ge @!p2 [sflag:s8], $0x4000  }
0xe2: {  	s1 =	sadd.s32 @!p3 s15, s17;
	s7 =	simm.s32 @!p3 $0x4;
	[sflag:s8] =	ssyncset.done @!p2 $0x0  }
0xe3: {  	s1 =	sadd.s32 @!p3 $0x300, s1;
	s9 =	simm.s32 @!p3 $0x0;
	[sflag:s8] =	ssyncadd.s32 @!p2 $0xFFFFC000  }
0xe4: {  	[tilespmem:s9], [sflag:$0x1] =	stream.linear.gather @!p3 [hbm4b:s1+s9], $0x80, $0x38;
	[tilespmem:$0x1FB80] =	vst v63  }
0xe5: {  	_ =	swait.ge @!p3 [sflag:s7], $0x80  }
0xe6: {  	s20 =	simm.s32 @!p3 $0x180;
	s19 =	simm.s32 @!p3 $0x80;
	[sflag:s7] =	ssyncset.done @!p3 $0x0  }
0xe7: {  	s8 =	simm.s32 @!p3 $0xA;
	s1 =	simm.s32 @!p3 $0x300;
	[sflag:s7] =	ssyncadd.s32 @!p3 $0xFFFFFF80  }
0xe8: {  	[spmem:s5] =	stream.indirect.scatter.add.f32 @!p3 [tilespmem:s1], [sflag:$0xA], $0x80, s20, s19, $0xb8;
	[tilespmem:$0x1FB80] =	vst v63  }
0xe9: {  	_ =	swait.ge @!p3 [sflag:s8], $0x4000  }
0xea: {  	s7 =	sadd.s32 @!p3 s15, s18;
	[sflag:s8] =	ssyncset.done @!p3 $0x0  }
0xeb: {  	s21 =	simm.s32 @!p3 $0x1;
	s7 =	sadd.s32 @!p3 $0x300, s7;
	[sflag:s8] =	ssyncadd.s32 @!p3 $0xFFFFC000  }
0xec: {  	[tilespmem:s20], [sflag:$0x4] =	stream.linear.gather @!p3 [hbm4b:s7+s9], $0x80, $0x38;
	[tilespmem:$0x1FB80] =	vst v63  }
0xed: {  	p2 =	sge.u32 s16, s29;
	_ =	swait.ge @!p3 [sflag:s21], $0x80  }
0xee: {  	s7 =	sadd.s32 @!p2 s16, s4;
	[sflag:s21] =	ssyncset.done @!p3 $0x0  }
0xef: {  	s8 =	simm.s32 @!p2 $0x8;
	s7 =	sadd.s32 @!p2 $0x40, s7;
	[sflag:s21] =	ssyncadd.s32 @!p3 $0xFFFFFF80  }
0xf0: {  	[tilespmem:s1], [sflag:$0x7] =	stream.indirect.gather @!p3 [hbm4b:s0+s19], $0x80, s9, s19, $0xb8;
	[tilespmem:$0x1FB80] =	vst v63  }
0xf1: {  	p3 =	sgt.u32 @!p2 s7, $0x9C3;
	_ =	swait.ge @!p2 [sflag:s8], $0x4000  }
0xf2: {  	p4 =	por !p3, p2;
	[sflag:s8] =	ssyncset.done @!p2 $0x0  }
0xf3: {  	s1 =	simm.s32 @!p4 $0x5;
	[sflag:s8] =	ssyncadd.s32 @!p2 $0xFFFFC000  }
0xf4: {  	_ =	swait.ge @!p4 [sflag:s1], $0x80  }
0xf5: {  	s7 =	simm.s32 @!p4 $0x4300;
	s9 =	simm.s32 @!p4 $0x200;
	[sflag:s1] =	ssyncset.done @!p4 $0x0  }
0xf6: {  	s8 =	simm.s32 @!p4 $0xA;
	[sflag:s1] =	ssyncadd.s32 @!p4 $0xFFFFFF80;
	s1 =	simm.s32 @!p4 $0x80  }
0xf7: {  	[spmem:s5] =	stream.indirect.scatter.add.f32 @!p4 [tilespmem:s7], [sflag:$0xA], $0x80, s9, s1, $0xb8;
	[tilespmem:$0x1FB80] =	vst v63  }
0xf8: {  	p3 =	por p3, p2;
	_ =	swait.ge @!p4 [sflag:s8], $0x4000  }
0xf9: {  	s1 =	sadd.s32 @!p3 s15, s17;
	s7 =	simm.s32 @!p3 $0x0;
	[sflag:s8] =	ssyncset.done @!p4 $0x0  }
0xfa: {  	s1 =	sadd.s32 @!p3 $0x400, s1;
	[sflag:s8] =	ssyncadd.s32 @!p4 $0xFFFFC000;
	s8 =	simm.s32 @!p3 $0x80  }
0xfb: {  	[tilespmem:s8], [sflag:$0x2] =	stream.linear.gather @!p3 [hbm4b:s1+s7], $0x80, $0x38;
	[tilespmem:$0x1FB80] =	vst v63  }
0xfc: {  	s1 =	simm.s32 @!p3 $0x5  }
0xfd: {  	_ =	swait.ge @!p3 [sflag:s1], $0x80  }
0xfe: {  	s19 =	simm.s32 @!p3 $0x4300;
	[sflag:s1] =	ssyncset.done @!p3 $0x0  }
0xff: {  	s9 =	simm.s32 @!p3 $0x200;
	[sflag:s1] =	ssyncadd.s32 @!p3 $0xFFFFFF80;
	s1 =	simm.s32 @!p3 $0xA  }
0x100: {  	[spmem:s5] =	stream.indirect.scatter.add.f32 @!p3 [tilespmem:s19], [sflag:$0xA], $0x80, s9, s8, $0xb8;
	[tilespmem:$0x1FB80] =	vst v63  }
0x101: {  	_ =	swait.ge @!p3 [sflag:s1], $0x4000  }
0x102: {  	s20 =	sadd.s32 @!p3 s15, s18;
	[sflag:s1] =	ssyncset.done @!p3 $0x0  }
0x103: {  	s20 =	sadd.s32 @!p3 $0x400, s20;
	[sflag:s1] =	ssyncadd.s32 @!p3 $0xFFFFC000;
	s1 =	simm.s32 @!p3 $0x2  }
0x104: {  	[tilespmem:s9], [sflag:$0x5] =	stream.linear.gather @!p3 [hbm4b:s20+s7], $0x80, $0x38;
	[tilespmem:$0x1FB80] =	vst v63  }
0x105: {  	p2 =	sge.u32 s16, s30;
	_ =	swait.ge @!p3 [sflag:s1], $0x80  }
0x106: {  	s7 =	sadd.s32 @!p2 s16, s4;
	[sflag:s1] =	ssyncset.done @!p3 $0x0  }
0x107: {  	s7 =	sadd.s32 @!p2 $0x50, s7;
	[sflag:s1] =	ssyncadd.s32 @!p3 $0xFFFFFF80;
	s1 =	simm.s32 @!p2 $0x9  }
0x108: {  	[tilespmem:s19], [sflag:$0x8] =	stream.indirect.gather @!p3 [hbm4b:s0+s8], $0x80, s8, s8, $0xb8;
	[tilespmem:$0x1FB80] =	vst v63  }
0x109: {  	p3 =	sgt.u32 @!p2 s7, $0x9C3;
	_ =	swait.ge @!p2 [sflag:s1], $0x4000  }
0x10a: {  	p4 =	por !p3, p2;
	[sflag:s1] =	ssyncset.done @!p2 $0x0  }
0x10b: {  	[sflag:s1] =	ssyncadd.s32 @!p2 $0xFFFFC000;
	s1 =	simm.s32 @!p4 $0x6  }
0x10c: {  	p3 =	por p3, p2;
	_ =	swait.ge @!p4 [sflag:s1], $0x80  }
0x10d: {  	s7 =	simm.s32 @!p4 $0x8300;
	s8 =	simm.s32 @!p4 $0x80;
	[sflag:s1] =	ssyncset.done @!p4 $0x0  }
0x10e: {  	s9 =	simm.s32 @!p4 $0x280;
	[sflag:s1] =	ssyncadd.s32 @!p4 $0xFFFFFF80;
	s1 =	simm.s32 @!p4 $0xA  }
0x10f: {  	[spmem:s5] =	stream.indirect.scatter.add.f32 @!p4 [tilespmem:s7], [sflag:$0xA], $0x80, s9, s8, $0xb8;
	[tilespmem:$0x1FB80] =	vst v63  }
0x110: {  	s7 =	sadd.s32 @!p3 s15, s17;
	_ =	swait.ge @!p4 [sflag:s1], $0x4000  }
0x111: {  	s8 =	simm.s32 @!p3 $0x100;
	s9 =	simm.s32 @!p3 $0x0;
	[sflag:s1] =	ssyncset.done @!p4 $0x0  }
0x112: {  	s7 =	sadd.s32 @!p3 $0x500, s7;
	[sflag:s1] =	ssyncadd.s32 @!p4 $0xFFFFC000;
	s1 =	simm.s32 @!p3 $0x6  }
0x113: {  	[tilespmem:s8], [sflag:$0x3] =	stream.linear.gather @!p3 [hbm4b:s7+s9], $0x80, $0x38;
	[tilespmem:$0x1FB80] =	vst v63  }
0x114: {  	_ =	swait.ge @!p3 [sflag:s1], $0x80  }
0x115: {  	s16 =	simm.s32 @!p3 $0x80;
	s19 =	simm.s32 @!p3 $0x280;
	[sflag:s1] =	ssyncset.done @!p3 $0x0  }
0x116: {  	s7 =	simm.s32 @!p3 $0x8300;
	[sflag:s1] =	ssyncadd.s32 @!p3 $0xFFFFFF80;
	s1 =	simm.s32 @!p3 $0xA  }
0x117: {  	[spmem:s5] =	stream.indirect.scatter.add.f32 @!p3 [tilespmem:s7], [sflag:$0xA], $0x80, s19, s16, $0xb8;
	[tilespmem:$0x1FB80] =	vst v63  }
0x118: {  	_ =	swait.ge @!p3 [sflag:s1], $0x4000  }
0x119: {  	s15 =	sadd.s32 @!p3 s15, s18;
	[sflag:s1] =	ssyncset.done @!p3 $0x0  }
0x11a: {  	s20 =	simm.s32 @!p3 $0x3;
	s15 =	sadd.s32 @!p3 $0x500, s15;
	[sflag:s1] =	ssyncadd.s32 @!p3 $0xFFFFC000  }
0x11b: {  	[tilespmem:s19], [sflag:$0x6] =	stream.linear.gather @!p3 [hbm4b:s15+s9], $0x80, $0x38;
	[tilespmem:$0x1FB80] =	vst v63  }
0x11c: {  	_ =	swait.ge @!p3 [sflag:s20], $0x80  }
0x11d: {  	[sflag:s20] =	ssyncset.done @!p3 $0x0  }
0x11e: {  	[sflag:s20] =	ssyncadd.s32 @!p3 $0xFFFFFF80  }
0x11f: {  	[tilespmem:s7], [sflag:$0x9] =	stream.indirect.gather @!p3 [hbm4b:s0+s16], $0x80, s8, s16, $0xb8;
	[tilespmem:$0x1FB80] =	vst v63  }
0x120: {  	[bflag:$0x0] =	sbarrier.arrive $0xFFFF  }
0x121: {  	s26 =	rddreg [dreg:$0x15]  }
0x122: {  	[hbm:s26], [sflag:s25] =	dma.local [spmem:s14], $0x2700  }
.Ltmp4:
0x123: {  	_ = 	snop;
	(pc) =	sbr.rel @p1 .LBB2_9-.Ltmp4, $4  }
.Ltmp5:
0x124: {  	_ =	swait.ge [sflag:s31], $0x2700;
	(pc) =	sbr.rel @!p1 .LBB2_8-.Ltmp5, $4  }
0x125: {  	[sflag:s31] =	ssyncset.done $0x0  }
0x126: {  	[sflag:s31] =	ssyncadd.s32 $0xFFFFD900  }
0x127: {  	s1 =	rddreg [dreg:$0x6]  }
0x128: {  	_ = 	snop  }
.LBB2_2:
0x129: {  	s7 =	rddreg [dreg:$0x17]  }
0x12a: {  	[spmem:s1], [sflag:s25] =	dma.local @!p1 [hbm:s7], $0x100  }
0x12b: {  	s1 =	simm.s32 @!p1 $0xA  }
0x12c: {  	_ =	swait.ge @!p1 [sflag:s1], $0x100  }
0x12d: {  	[sflag:s1] =	ssyncset.done @!p1 $0x0  }
0x12e: {  	[sflag:s1] =	ssyncadd.s32 @!p1 $0xFFFFFF00  }
0x12f: {  	s26 =	simm.s32 $0x0;
	[bflag:$0x0] =	sbarrier.arrive $0xFFFF  }
0x130: {  	[tilespmem:s26], [sflag:$0x1] =	stream.linear.gather [hbm4b:s10+s26], $0x80, $0x38;
	[tilespmem:$0x1FB80] =	vst v63  }
0x131: {  	s15 =	simm.s32 $0x180  }
0x132: {  	[tilespmem:s15], [sflag:$0x4] =	stream.linear.gather [hbm4b:s11+s26], $0x80, $0x38;
	[tilespmem:$0x1FB80] =	vst v63  }
0x133: {  	s16 =	rddreg [dreg:$0xc]  }
0x134: {  	[tilespmem:s2], [sflag:$0x2] =	stream.linear.gather [hbm4b:s16+s26], $0x80, $0x38;
	[tilespmem:$0x1FB80] =	vst v63  }
0x135: {  	s8 =	simm.s32 $0x200;
	s19 =	rddreg [dreg:$0xd]  }
0x136: {  	[tilespmem:s8], [sflag:$0x5] =	stream.linear.gather [hbm4b:s19+s26], $0x80, $0x38;
	[tilespmem:$0x1FB80] =	vst v63  }
0x137: {  	s21 =	simm.s32 $0x100;
	s20 =	rddreg [dreg:$0xe]  }
0x138: {  	[tilespmem:s21], [sflag:$0x3] =	stream.linear.gather [hbm4b:s20+s26], $0x80, $0x38;
	[tilespmem:$0x1FB80] =	vst v63  }
0x139: {  	s9 =	simm.s32 $0x280;
	s22 =	rddreg [dreg:$0xf]  }
0x13a: {  	[tilespmem:s9], [sflag:$0x6] =	stream.linear.gather [hbm4b:s22+s26], $0x80, $0x38;
	[tilespmem:$0x1FB80] =	vst v63  }
0x13b: {  	_ =	swait.ge [sflag:s3], $0x80  }
0x13c: {  	[sflag:s3] =	ssyncset.done $0x0  }
0x13d: {  	s23 =	simm.s32 $0x300;
	[sflag:s3] =	ssyncadd.s32 $0xFFFFFF80  }
0x13e: {  	[tilespmem:s23], [sflag:$0x7] =	stream.indirect.gather [hbm4b:s0+s2], $0x80, s26, s2, $0xb8;
	[tilespmem:$0x1FB80] =	vst v63  }
0x13f: {  	_ =	swait.ge [sflag:s12], $0x80  }
0x140: {  	[sflag:s12] =	ssyncset.done $0x0  }
0x141: {  	s24 =	simm.s32 $0x4300;
	[sflag:s12] =	ssyncadd.s32 $0xFFFFFF80  }
0x142: {  	[tilespmem:s24], [sflag:$0x8] =	stream.indirect.gather [hbm4b:s0+s2], $0x80, s2, s2, $0xb8;
	[tilespmem:$0x1FB80] =	vst v63  }
0x143: {  	p3 =	sle.u32 s28, $0x0;
	_ =	swait.ge [sflag:s13], $0x80  }
0x144: {  	s7 =	simm.s32 @!p3 $0x7;
	s1 =	sadd.s32 @!p3 $0x0, s4;
	[sflag:s13] =	ssyncset.done $0x0  }
0x145: {  	s1 =	sadd.s32 @!p3 $0x30, s1;
	s26 =	simm.s32 $0x8300;
	[sflag:s13] =	ssyncadd.s32 $0xFFFFFF80  }
0x146: {  	[tilespmem:s26], [sflag:$0x9] =	stream.indirect.gather [hbm4b:s0+s2], $0x80, s21, s2, $0xb8;
	[tilespmem:$0x1FB80] =	vst v63  }
0x147: {  	p4 =	sgt.u32 @!p3 s1, $0x9C3;
	_ =	swait.ge @!p3 [sflag:s7], $0x4000  }
0x148: {  	p2 =	por !p4, p3;
	[sflag:s7] =	ssyncset.done @!p3 $0x0  }
0x149: {  	s1 =	simm.s32 @!p2 $0x4;
	[sflag:s7] =	ssyncadd.s32 @!p3 $0xFFFFC000  }
0x14a: {  	_ =	swait.ge @!p2 [sflag:s1], $0x80  }
0x14b: {  	s15 =	simm.s32 @!p2 $0x80;
	s16 =	simm.s32 @!p2 $0x180;
	[sflag:s1] =	ssyncset.done @!p2 $0x0  }
0x14c: {  	s8 =	simm.s32 @!p2 $0xA;
	s7 =	simm.s32 @!p2 $0x300;
	[sflag:s1] =	ssyncadd.s32 @!p2 $0xFFFFFF80  }
0x14d: {  	[spmem:s5] =	stream.indirect.scatter.add.f32 @!p2 [tilespmem:s7], [sflag:$0xA], $0x80, s16, s15, $0xb8;
	[tilespmem:$0x1FB80] =	vst v63  }
0x14e: {  	p3 =	por p4, p3;
	_ =	swait.ge @!p2 [sflag:s8], $0x4000  }
0x14f: {  	s1 =	sadd.s32 @!p3 $0x0, s10;
	s7 =	simm.s32 @!p3 $0x4;
	[sflag:s8] =	ssyncset.done @!p2 $0x0  }
0x150: {  	s1 =	sadd.s32 @!p3 $0x300, s1;
	s15 =	simm.s32 @!p3 $0x0;
	[sflag:s8] =	ssyncadd.s32 @!p2 $0xFFFFC000  }
0x151: {  	[tilespmem:s15], [sflag:$0x1] =	stream.linear.gather @!p3 [hbm4b:s1+s15], $0x80, $0x38;
	[tilespmem:$0x1FB80] =	vst v63  }
0x152: {  	_ =	swait.ge @!p3 [sflag:s7], $0x80  }
0x153: {  	s19 =	simm.s32 @!p3 $0x180;
	s16 =	simm.s32 @!p3 $0x80;
	[sflag:s7] =	ssyncset.done @!p3 $0x0  }
0x154: {  	s8 =	simm.s32 @!p3 $0xA;
	s1 =	simm.s32 @!p3 $0x300;
	[sflag:s7] =	ssyncadd.s32 @!p3 $0xFFFFFF80  }
0x155: {  	[spmem:s5] =	stream.indirect.scatter.add.f32 @!p3 [tilespmem:s1], [sflag:$0xA], $0x80, s19, s16, $0xb8;
	[tilespmem:$0x1FB80] =	vst v63  }
0x156: {  	_ =	swait.ge @!p3 [sflag:s8], $0x4000  }
0x157: {  	s7 =	sadd.s32 @!p3 $0x0, s11;
	[sflag:s8] =	ssyncset.done @!p3 $0x0  }
0x158: {  	s20 =	simm.s32 @!p3 $0x1;
	s7 =	sadd.s32 @!p3 $0x300, s7;
	[sflag:s8] =	ssyncadd.s32 @!p3 $0xFFFFC000  }
0x159: {  	[tilespmem:s19], [sflag:$0x4] =	stream.linear.gather @!p3 [hbm4b:s7+s15], $0x80, $0x38;
	[tilespmem:$0x1FB80] =	vst v63  }
0x15a: {  	p2 =	sle.u32 s29, $0x0;
	_ =	swait.ge @!p3 [sflag:s20], $0x80  }
0x15b: {  	s7 =	sadd.s32 @!p2 $0x0, s4;
	[sflag:s20] =	ssyncset.done @!p3 $0x0  }
0x15c: {  	s8 =	simm.s32 @!p2 $0x8;
	s7 =	sadd.s32 @!p2 $0x40, s7;
	[sflag:s20] =	ssyncadd.s32 @!p3 $0xFFFFFF80  }
0x15d: {  	[tilespmem:s1], [sflag:$0x7] =	stream.indirect.gather @!p3 [hbm4b:s0+s16], $0x80, s15, s16, $0xb8;
	[tilespmem:$0x1FB80] =	vst v63  }
0x15e: {  	p3 =	sgt.u32 @!p2 s7, $0x9C3;
	_ =	swait.ge @!p2 [sflag:s8], $0x4000  }
0x15f: {  	p4 =	por !p3, p2;
	[sflag:s8] =	ssyncset.done @!p2 $0x0  }
0x160: {  	s1 =	simm.s32 @!p4 $0x5;
	[sflag:s8] =	ssyncadd.s32 @!p2 $0xFFFFC000  }
0x161: {  	_ =	swait.ge @!p4 [sflag:s1], $0x80  }
0x162: {  	s7 =	simm.s32 @!p4 $0x4300;
	s15 =	simm.s32 @!p4 $0x200;
	[sflag:s1] =	ssyncset.done @!p4 $0x0  }
0x163: {  	s8 =	simm.s32 @!p4 $0xA;
	[sflag:s1] =	ssyncadd.s32 @!p4 $0xFFFFFF80;
	s1 =	simm.s32 @!p4 $0x80  }
0x164: {  	[spmem:s5] =	stream.indirect.scatter.add.f32 @!p4 [tilespmem:s7], [sflag:$0xA], $0x80, s15, s1, $0xb8;
	[tilespmem:$0x1FB80] =	vst v63  }
0x165: {  	p3 =	por p3, p2;
	_ =	swait.ge @!p4 [sflag:s8], $0x4000  }
0x166: {  	s1 =	sadd.s32 @!p3 $0x0, s10;
	s7 =	simm.s32 @!p3 $0x0;
	[sflag:s8] =	ssyncset.done @!p4 $0x0  }
0x167: {  	s1 =	sadd.s32 @!p3 $0x400, s1;
	[sflag:s8] =	ssyncadd.s32 @!p4 $0xFFFFC000;
	s8 =	simm.s32 @!p3 $0x80  }
0x168: {  	[tilespmem:s8], [sflag:$0x2] =	stream.linear.gather @!p3 [hbm4b:s1+s7], $0x80, $0x38;
	[tilespmem:$0x1FB80] =	vst v63  }
0x169: {  	s1 =	simm.s32 @!p3 $0x5  }
0x16a: {  	_ =	swait.ge @!p3 [sflag:s1], $0x80  }
0x16b: {  	s16 =	simm.s32 @!p3 $0x4300;
	[sflag:s1] =	ssyncset.done @!p3 $0x0  }
0x16c: {  	s15 =	simm.s32 @!p3 $0x200;
	[sflag:s1] =	ssyncadd.s32 @!p3 $0xFFFFFF80;
	s1 =	simm.s32 @!p3 $0xA  }
0x16d: {  	[spmem:s5] =	stream.indirect.scatter.add.f32 @!p3 [tilespmem:s16], [sflag:$0xA], $0x80, s15, s8, $0xb8;
	[tilespmem:$0x1FB80] =	vst v63  }
0x16e: {  	_ =	swait.ge @!p3 [sflag:s1], $0x4000  }
0x16f: {  	s19 =	sadd.s32 @!p3 $0x0, s11;
	[sflag:s1] =	ssyncset.done @!p3 $0x0  }
0x170: {  	s19 =	sadd.s32 @!p3 $0x400, s19;
	[sflag:s1] =	ssyncadd.s32 @!p3 $0xFFFFC000;
	s1 =	simm.s32 @!p3 $0x2  }
0x171: {  	[tilespmem:s15], [sflag:$0x5] =	stream.linear.gather @!p3 [hbm4b:s19+s7], $0x80, $0x38;
	[tilespmem:$0x1FB80] =	vst v63  }
0x172: {  	p2 =	sle.u32 s30, $0x0;
	_ =	swait.ge @!p3 [sflag:s1], $0x80  }
0x173: {  	s7 =	sadd.s32 @!p2 $0x0, s4;
	[sflag:s1] =	ssyncset.done @!p3 $0x0  }
0x174: {  	s7 =	sadd.s32 @!p2 $0x50, s7;
	[sflag:s1] =	ssyncadd.s32 @!p3 $0xFFFFFF80;
	s1 =	simm.s32 @!p2 $0x9  }
0x175: {  	[tilespmem:s16], [sflag:$0x8] =	stream.indirect.gather @!p3 [hbm4b:s0+s8], $0x80, s8, s8, $0xb8;
	[tilespmem:$0x1FB80] =	vst v63  }
0x176: {  	p4 =	sgt.u32 @!p2 s7, $0x9C3;
	_ =	swait.ge @!p2 [sflag:s1], $0x4000  }
0x177: {  	p3 =	por !p4, p2;
	[sflag:s1] =	ssyncset.done @!p2 $0x0  }
0x178: {  	[sflag:s1] =	ssyncadd.s32 @!p2 $0xFFFFC000;
	s1 =	simm.s32 @!p3 $0x6  }
0x179: {  	p5 =	sle.u32 s28, $0x30;
	p4 =	por p4, p2;
	_ =	swait.ge @!p3 [sflag:s1], $0x80  }
0x17a: {  	s7 =	simm.s32 @!p3 $0x8300;
	s8 =	simm.s32 @!p3 $0x80;
	[sflag:s1] =	ssyncset.done @!p3 $0x0  }
0x17b: {  	s16 =	simm.s32 @!p3 $0x280;
	[sflag:s1] =	ssyncadd.s32 @!p3 $0xFFFFFF80;
	s1 =	simm.s32 @!p3 $0xA  }
0x17c: {  	[spmem:s5] =	stream.indirect.scatter.add.f32 @!p3 [tilespmem:s7], [sflag:$0xA], $0x80, s16, s8, $0xb8;
	[tilespmem:$0x1FB80] =	vst v63  }
0x17d: {  	s15 =	simm.s32 $0x300;
	s21 =	simm.s32 @!p4 $0x100;
	_ =	swait.ge @!p3 [sflag:s1], $0x4000  }
0x17e: {  	s23 =	simm.s32 @!p4 $0x0;
	s7 =	sadd.s32 @!p4 $0x0, s10;
	[sflag:s1] =	ssyncset.done @!p3 $0x0  }
0x17f: {  	s8 =	simm.s32 @!p4 $0x6;
	s7 =	sadd.s32 @!p4 $0x500, s7;
	[sflag:s1] =	ssyncadd.s32 @!p3 $0xFFFFC000  }
0x180: {  	[tilespmem:s21], [sflag:$0x3] =	stream.linear.gather @!p4 [hbm4b:s7+s23], $0x80, $0x38;
	[tilespmem:$0x1FB80] =	vst v63  }
0x181: {  	s19 =	simm.s32 $0x600;
	s20 =	sadd.s32 @!p4 $0x0, s11;
	_ =	swait.ge @!p4 [sflag:s8], $0x80  }
0x182: {  	s22 =	simm.s32 @!p4 $0x8300;
	s26 =	simm.s32 @!p4 $0xA;
	[sflag:s8] =	ssyncset.done @!p4 $0x0  }
0x183: {  	s1 =	simm.s32 @!p4 $0x280;
	s7 =	simm.s32 @!p4 $0x80;
	[sflag:s8] =	ssyncadd.s32 @!p4 $0xFFFFFF80  }
0x184: {  	[spmem:s5] =	stream.indirect.scatter.add.f32 @!p4 [tilespmem:s22], [sflag:$0xA], $0x80, s1, s7, $0xb8;
	[tilespmem:$0x1FB80] =	vst v63  }
0x185: {  	s24 =	sadd.s32 @!p4 $0x500, s20;
	s20 =	sadd.s32 @!p5 $0x30, s4;
	_ =	swait.ge @!p4 [sflag:s26], $0x4000  }
0x186: {  	s16 =	simm.s32 $0x30;
	s8 =	simm.s32 @!p4 $0x3;
	[sflag:s26] =	ssyncset.done @!p4 $0x0  }
.LBB2_3:
0x187: {  	s9 =	sadd.s32 @!p5 $0x30, s20  }
0x188: {  	[sflag:s26] =	ssyncadd.s32 @!p4 $0xFFFFC000;
	s20 =	smov.u32 s19;
	s19 =	sadd.s32 $0x300, s19  }
0x189: {  	[tilespmem:s1], [sflag:$0x6] =	stream.linear.gather @!p4 [hbm4b:s24+s23], $0x80, $0x38;
	[tilespmem:$0x1FB80] =	vst v63  }
0x18a: {  	p3 =	sne.s32 s19, $0x9F00;
	p2 =	sgt.u32 @!p5 s9, $0x9C3;
	_ =	swait.ge @!p4 [sflag:s8], $0x80  }
0x18b: {  	s1 =	simm.s32 @!p5 $0x7;
	p6 =	por !p2, p5;
	[sflag:s8] =	ssyncset.done @!p4 $0x0  }
0x18c: {  	[sflag:s8] =	ssyncadd.s32 @!p4 $0xFFFFFF80  }
0x18d: {  	[tilespmem:s22], [sflag:$0x9] =	stream.indirect.gather @!p4 [hbm4b:s0+s7], $0x80, s21, s7, $0xb8;
	[tilespmem:$0x1FB80] =	vst v63  }
0x18e: {  	_ =	swait.ge @!p5 [sflag:s1], $0x4000  }
0x18f: {  	s7 =	simm.s32 @!p6 $0x4;
	[sflag:s1] =	ssyncset.done @!p5 $0x0  }
0x190: {  	[sflag:s1] =	ssyncadd.s32 @!p5 $0xFFFFC000  }
0x191: {  	s8 =	simm.s32 @!p6 $0xA;
	s1 =	simm.s32 @!p6 $0x300;
	_ =	swait.ge @!p6 [sflag:s7], $0x80  }
0x192: {  	s9 =	simm.s32 @!p6 $0x80;
	s21 =	simm.s32 @!p6 $0x180;
	[sflag:s7] =	ssyncset.done @!p6 $0x0  }
0x193: {  	p4 =	por p2, p5;
	[sflag:s7] =	ssyncadd.s32 @!p6 $0xFFFFFF80  }
0x194: {  	[spmem:s5] =	stream.indirect.scatter.add.f32 @!p6 [tilespmem:s1], [sflag:$0xA], $0x80, s21, s9, $0xb8;
	[tilespmem:$0x1FB80] =	vst v63  }
0x195: {  	s7 =	simm.s32 @!p4 $0x4;
	s1 =	sadd.s32 @!p4 s15, s10;
	_ =	swait.ge @!p6 [sflag:s8], $0x4000  }
0x196: {  	s9 =	simm.s32 @!p4 $0x0;
	s1 =	sadd.s32 @!p4 $0x300, s1;
	[sflag:s8] =	ssyncset.done @!p6 $0x0  }
0x197: {  	[sflag:s8] =	ssyncadd.s32 @!p6 $0xFFFFC000;
	s8 =	sadd.s32 @!p4 s15, s11  }
0x198: {  	[tilespmem:s9], [sflag:$0x1] =	stream.linear.gather @!p4 [hbm4b:s1+s9], $0x80, $0x38;
	[tilespmem:$0x1FB80] =	vst v63  }
0x199: {  	s21 =	simm.s32 @!p4 $0xA;
	s1 =	simm.s32 @!p4 $0x300;
	_ =	swait.ge @!p4 [sflag:s7], $0x80  }
0x19a: {  	s22 =	simm.s32 @!p4 $0x80;
	s23 =	simm.s32 @!p4 $0x180;
	[sflag:s7] =	ssyncset.done @!p4 $0x0  }
0x19b: {  	[sflag:s7] =	ssyncadd.s32 @!p4 $0xFFFFFF80;
	s7 =	sadd.s32 @!p4 $0x300, s8  }
0x19c: {  	[spmem:s5] =	stream.indirect.scatter.add.f32 @!p4 [tilespmem:s1], [sflag:$0xA], $0x80, s23, s22, $0xb8;
	[tilespmem:$0x1FB80] =	vst v63  }
0x19d: {  	_ =	swait.ge @!p4 [sflag:s21], $0x4000  }
0x19e: {  	s8 =	simm.s32 @!p4 $0x1;
	[sflag:s21] =	ssyncset.done @!p4 $0x0  }
0x19f: {  	[sflag:s21] =	ssyncadd.s32 @!p4 $0xFFFFC000  }
0x1a0: {  	[tilespmem:s23], [sflag:$0x4] =	stream.linear.gather @!p4 [hbm4b:s7+s9], $0x80, $0x38;
	[tilespmem:$0x1FB80] =	vst v63  }
0x1a1: {  	p5 =	sge.u32 s16, s29;
	_ =	swait.ge @!p4 [sflag:s8], $0x80  }
0x1a2: {  	s21 =	sadd.s32 @!p5 s16, s4;
	s7 =	simm.s32 @!p5 $0x8;
	[sflag:s8] =	ssyncset.done @!p4 $0x0  }
0x1a3: {  	[sflag:s8] =	ssyncadd.s32 @!p4 $0xFFFFFF80;
	s8 =	sadd.s32 @!p5 $0x40, s21  }
0x1a4: {  	[tilespmem:s1], [sflag:$0x7] =	stream.indirect.gather @!p4 [hbm4b:s0+s22], $0x80, s9, s22, $0xb8;
	[tilespmem:$0x1FB80] =	vst v63  }
0x1a5: {  	p4 =	sgt.u32 @!p5 s8, $0x9C3;
	_ =	swait.ge @!p5 [sflag:s7], $0x4000  }
0x1a6: {  	p2 =	por !p4, p5;
	[sflag:s7] =	ssyncset.done @!p5 $0x0  }
0x1a7: {  	s1 =	simm.s32 @!p2 $0x5;
	[sflag:s7] =	ssyncadd.s32 @!p5 $0xFFFFC000  }
0x1a8: {  	_ =	swait.ge @!p2 [sflag:s1], $0x80  }
0x1a9: {  	s8 =	simm.s32 @!p2 $0xA;
	s7 =	simm.s32 @!p2 $0x4300;
	[sflag:s1] =	ssyncset.done @!p2 $0x0  }
0x1aa: {  	s9 =	simm.s32 @!p2 $0x200;
	[sflag:s1] =	ssyncadd.s32 @!p2 $0xFFFFFF80;
	s1 =	simm.s32 @!p2 $0x80  }
0x1ab: {  	[spmem:s5] =	stream.indirect.scatter.add.f32 @!p2 [tilespmem:s7], [sflag:$0xA], $0x80, s9, s1, $0xb8;
	[tilespmem:$0x1FB80] =	vst v63  }
0x1ac: {  	p4 =	por p4, p5;
	_ =	swait.ge @!p2 [sflag:s8], $0x4000  }
0x1ad: {  	s1 =	sadd.s32 @!p4 s15, s10;
	s7 =	simm.s32 @!p4 $0x0;
	[sflag:s8] =	ssyncset.done @!p2 $0x0  }
0x1ae: {  	s1 =	sadd.s32 @!p4 $0x400, s1;
	[sflag:s8] =	ssyncadd.s32 @!p2 $0xFFFFC000;
	s8 =	simm.s32 @!p4 $0x80  }
0x1af: {  	[tilespmem:s8], [sflag:$0x2] =	stream.linear.gather @!p4 [hbm4b:s1+s7], $0x80, $0x38;
	[tilespmem:$0x1FB80] =	vst v63  }
0x1b0: {  	s9 =	sadd.s32 @!p4 s15, s11;
	s1 =	simm.s32 @!p4 $0x5  }
0x1b1: {  	s9 =	sadd.s32 @!p4 $0x400, s9;
	_ =	swait.ge @!p4 [sflag:s1], $0x80  }
0x1b2: {  	s21 =	simm.s32 @!p4 $0x200;
	s22 =	simm.s32 @!p4 $0x4300;
	[sflag:s1] =	ssyncset.done @!p4 $0x0  }
0x1b3: {  	[sflag:s1] =	ssyncadd.s32 @!p4 $0xFFFFFF80;
	s1 =	simm.s32 @!p4 $0xA  }
0x1b4: {  	[spmem:s5] =	stream.indirect.scatter.add.f32 @!p4 [tilespmem:s22], [sflag:$0xA], $0x80, s21, s8, $0xb8;
	[tilespmem:$0x1FB80] =	vst v63  }
0x1b5: {  	_ =	swait.ge @!p4 [sflag:s1], $0x4000  }
0x1b6: {  	[sflag:s1] =	ssyncset.done @!p4 $0x0  }
0x1b7: {  	[sflag:s1] =	ssyncadd.s32 @!p4 $0xFFFFC000;
	s1 =	simm.s32 @!p4 $0x2  }
0x1b8: {  	[tilespmem:s21], [sflag:$0x5] =	stream.linear.gather @!p4 [hbm4b:s9+s7], $0x80, $0x38;
	[tilespmem:$0x1FB80] =	vst v63  }
0x1b9: {  	p5 =	sge.u32 s16, s30;
	_ =	swait.ge @!p4 [sflag:s1], $0x80  }
0x1ba: {  	s7 =	sadd.s32 @!p5 s16, s4;
	[sflag:s1] =	ssyncset.done @!p4 $0x0  }
0x1bb: {  	s7 =	sadd.s32 @!p5 $0x50, s7;
	[sflag:s1] =	ssyncadd.s32 @!p4 $0xFFFFFF80;
	s1 =	simm.s32 @!p5 $0x9  }
0x1bc: {  	[tilespmem:s22], [sflag:$0x8] =	stream.indirect.gather @!p4 [hbm4b:s0+s8], $0x80, s8, s8, $0xb8;
	[tilespmem:$0x1FB80] =	vst v63  }
0x1bd: {  	p4 =	sgt.u32 @!p5 s7, $0x9C3;
	_ =	swait.ge @!p5 [sflag:s1], $0x4000  }
0x1be: {  	p2 =	por !p4, p5;
	[sflag:s1] =	ssyncset.done @!p5 $0x0  }
0x1bf: {  	s16 =	sadd.s32 $0x30, s16;
	[sflag:s1] =	ssyncadd.s32 @!p5 $0xFFFFC000;
	s1 =	simm.s32 @!p2 $0x6  }
0x1c0: {  	p4 =	por p4, p5;
	s7 =	simm.s32 @!p2 $0x8300;
	_ =	swait.ge @!p2 [sflag:s1], $0x80  }
0x1c1: {  	s8 =	simm.s32 @!p2 $0x80;
	s9 =	simm.s32 @!p2 $0x280;
	[sflag:s1] =	ssyncset.done @!p2 $0x0  }
0x1c2: {  	s21 =	simm.s32 @!p4 $0x100;
	[sflag:s1] =	ssyncadd.s32 @!p2 $0xFFFFFF80;
	s1 =	simm.s32 @!p2 $0xA  }
0x1c3: {  	[spmem:s5] =	stream.indirect.scatter.add.f32 @!p2 [tilespmem:s7], [sflag:$0xA], $0x80, s9, s8, $0xb8;
	[tilespmem:$0x1FB80] =	vst v63  }
0x1c4: {  	s23 =	simm.s32 @!p4 $0x0;
	s7 =	sadd.s32 @!p4 s15, s10;
	_ =	swait.ge @!p2 [sflag:s1], $0x4000  }
0x1c5: {  	s22 =	simm.s32 @!p4 $0x8300;
	s7 =	sadd.s32 @!p4 $0x500, s7;
	[sflag:s1] =	ssyncset.done @!p2 $0x0  }
0x1c6: {  	s8 =	simm.s32 @!p4 $0x6;
	[sflag:s1] =	ssyncadd.s32 @!p2 $0xFFFFC000;
	s1 =	sadd.s32 @!p4 s15, s11  }
0x1c7: {  	[tilespmem:s21], [sflag:$0x3] =	stream.linear.gather @!p4 [hbm4b:s7+s23], $0x80, $0x38;
	[tilespmem:$0x1FB80] =	vst v63  }
0x1c8: {  	s24 =	sadd.s32 @!p4 $0x500, s1;
	s7 =	simm.s32 @!p4 $0x80;
	_ =	swait.ge @!p4 [sflag:s8], $0x80  }
.Ltmp6:
0x1c9: {  	s1 =	simm.s32 @!p4 $0x280;
	[sflag:s8] =	ssyncset.done @!p4 $0x0;
	(pc) =	sbr.rel @p3 .LBB2_3-.Ltmp6, $4  }
0x1ca: {  	s26 =	simm.s32 @!p4 $0xA;
	[sflag:s8] =	ssyncadd.s32 @!p4 $0xFFFFFF80;
	s8 =	simm.s32 @!p4 $0x3  }
0x1cb: {  	[spmem:s5] =	stream.indirect.scatter.add.f32 @!p4 [tilespmem:s22], [sflag:$0xA], $0x80, s1, s7, $0xb8;
	[tilespmem:$0x1FB80] =	vst v63  }
0x1cc: {  	p5 =	sge.u32 s16, s28;
	s15 =	smov.u32 s20;
	_ =	swait.ge @!p4 [sflag:s26], $0x4000  }
0x1cd: {  	s20 =	sadd.s32 @!p5 s16, s4;
	[sflag:s26] =	ssyncset.done @!p4 $0x0  }
0x1ce: {  	[sflag:s26] =	ssyncadd.s32 @!p4 $0xFFFFC000  }
0x1cf: {  	[tilespmem:s1], [sflag:$0x6] =	stream.linear.gather @!p4 [hbm4b:s24+s23], $0x80, $0x38;
	[tilespmem:$0x1FB80] =	vst v63  }
0x1d0: {  	_ =	swait.ge @!p4 [sflag:s8], $0x80  }
0x1d1: {  	[sflag:s8] =	ssyncset.done @!p4 $0x0  }
0x1d2: {  	s9 =	simm.s32 @!p5 $0x7;
	s1 =	sadd.s32 @!p5 $0x30, s20;
	[sflag:s8] =	ssyncadd.s32 @!p4 $0xFFFFFF80  }
0x1d3: {  	[tilespmem:s22], [sflag:$0x9] =	stream.indirect.gather @!p4 [hbm4b:s0+s7], $0x80, s21, s7, $0xb8;
	[tilespmem:$0x1FB80] =	vst v63  }
0x1d4: {  	p3 =	sgt.u32 @!p5 s1, $0x9C3;
	_ =	swait.ge @!p5 [sflag:s9], $0x4000  }
0x1d5: {  	p2 =	por !p3, p5;
	[sflag:s9] =	ssyncset.done @!p5 $0x0  }
0x1d6: {  	s1 =	simm.s32 @!p2 $0x4;
	[sflag:s9] =	ssyncadd.s32 @!p5 $0xFFFFC000  }
0x1d7: {  	_ =	swait.ge @!p2 [sflag:s1], $0x80  }
0x1d8: {  	s8 =	simm.s32 @!p2 $0xA;
	s19 =	simm.s32 @!p2 $0x180;
	[sflag:s1] =	ssyncset.done @!p2 $0x0  }
0x1d9: {  	s7 =	simm.s32 @!p2 $0x300;
	s9 =	simm.s32 @!p2 $0x80;
	[sflag:s1] =	ssyncadd.s32 @!p2 $0xFFFFFF80  }
0x1da: {  	[spmem:s5] =	stream.indirect.scatter.add.f32 @!p2 [tilespmem:s7], [sflag:$0xA], $0x80, s19, s9, $0xb8;
	[tilespmem:$0x1FB80] =	vst v63  }
0x1db: {  	p3 =	por p3, p5;
	_ =	swait.ge @!p2 [sflag:s8], $0x4000  }
0x1dc: {  	s1 =	sadd.s32 @!p3 s15, s10;
	s7 =	simm.s32 @!p3 $0x4;
	[sflag:s8] =	ssyncset.done @!p2 $0x0  }
0x1dd: {  	s1 =	sadd.s32 @!p3 $0x300, s1;
	s9 =	simm.s32 @!p3 $0x0;
	[sflag:s8] =	ssyncadd.s32 @!p2 $0xFFFFC000  }
0x1de: {  	[tilespmem:s9], [sflag:$0x1] =	stream.linear.gather @!p3 [hbm4b:s1+s9], $0x80, $0x38;
	[tilespmem:$0x1FB80] =	vst v63  }
0x1df: {  	_ =	swait.ge @!p3 [sflag:s7], $0x80  }
0x1e0: {  	s20 =	simm.s32 @!p3 $0x180;
	s19 =	simm.s32 @!p3 $0x80;
	[sflag:s7] =	ssyncset.done @!p3 $0x0  }
0x1e1: {  	s8 =	simm.s32 @!p3 $0xA;
	s1 =	simm.s32 @!p3 $0x300;
	[sflag:s7] =	ssyncadd.s32 @!p3 $0xFFFFFF80  }
0x1e2: {  	[spmem:s5] =	stream.indirect.scatter.add.f32 @!p3 [tilespmem:s1], [sflag:$0xA], $0x80, s20, s19, $0xb8;
	[tilespmem:$0x1FB80] =	vst v63  }
0x1e3: {  	_ =	swait.ge @!p3 [sflag:s8], $0x4000  }
0x1e4: {  	s7 =	sadd.s32 @!p3 s15, s11;
	[sflag:s8] =	ssyncset.done @!p3 $0x0  }
0x1e5: {  	s21 =	simm.s32 @!p3 $0x1;
	s7 =	sadd.s32 @!p3 $0x300, s7;
	[sflag:s8] =	ssyncadd.s32 @!p3 $0xFFFFC000  }
0x1e6: {  	[tilespmem:s20], [sflag:$0x4] =	stream.linear.gather @!p3 [hbm4b:s7+s9], $0x80, $0x38;
	[tilespmem:$0x1FB80] =	vst v63  }
0x1e7: {  	p2 =	sge.u32 s16, s29;
	_ =	swait.ge @!p3 [sflag:s21], $0x80  }
0x1e8: {  	s7 =	sadd.s32 @!p2 s16, s4;
	[sflag:s21] =	ssyncset.done @!p3 $0x0  }
0x1e9: {  	s8 =	simm.s32 @!p2 $0x8;
	s7 =	sadd.s32 @!p2 $0x40, s7;
	[sflag:s21] =	ssyncadd.s32 @!p3 $0xFFFFFF80  }
0x1ea: {  	[tilespmem:s1], [sflag:$0x7] =	stream.indirect.gather @!p3 [hbm4b:s0+s19], $0x80, s9, s19, $0xb8;
	[tilespmem:$0x1FB80] =	vst v63  }
0x1eb: {  	p3 =	sgt.u32 @!p2 s7, $0x9C3;
	_ =	swait.ge @!p2 [sflag:s8], $0x4000  }
0x1ec: {  	p4 =	por !p3, p2;
	[sflag:s8] =	ssyncset.done @!p2 $0x0  }
0x1ed: {  	s1 =	simm.s32 @!p4 $0x5;
	[sflag:s8] =	ssyncadd.s32 @!p2 $0xFFFFC000  }
0x1ee: {  	_ =	swait.ge @!p4 [sflag:s1], $0x80  }
0x1ef: {  	s7 =	simm.s32 @!p4 $0x4300;
	s9 =	simm.s32 @!p4 $0x200;
	[sflag:s1] =	ssyncset.done @!p4 $0x0  }
0x1f0: {  	s8 =	simm.s32 @!p4 $0xA;
	[sflag:s1] =	ssyncadd.s32 @!p4 $0xFFFFFF80;
	s1 =	simm.s32 @!p4 $0x80  }
0x1f1: {  	[spmem:s5] =	stream.indirect.scatter.add.f32 @!p4 [tilespmem:s7], [sflag:$0xA], $0x80, s9, s1, $0xb8;
	[tilespmem:$0x1FB80] =	vst v63  }
0x1f2: {  	p3 =	por p3, p2;
	_ =	swait.ge @!p4 [sflag:s8], $0x4000  }
0x1f3: {  	s1 =	sadd.s32 @!p3 s15, s10;
	s7 =	simm.s32 @!p3 $0x0;
	[sflag:s8] =	ssyncset.done @!p4 $0x0  }
0x1f4: {  	s1 =	sadd.s32 @!p3 $0x400, s1;
	[sflag:s8] =	ssyncadd.s32 @!p4 $0xFFFFC000;
	s8 =	simm.s32 @!p3 $0x80  }
0x1f5: {  	[tilespmem:s8], [sflag:$0x2] =	stream.linear.gather @!p3 [hbm4b:s1+s7], $0x80, $0x38;
	[tilespmem:$0x1FB80] =	vst v63  }
0x1f6: {  	s1 =	simm.s32 @!p3 $0x5  }
0x1f7: {  	_ =	swait.ge @!p3 [sflag:s1], $0x80  }
0x1f8: {  	s19 =	simm.s32 @!p3 $0x4300;
	[sflag:s1] =	ssyncset.done @!p3 $0x0  }
0x1f9: {  	s9 =	simm.s32 @!p3 $0x200;
	[sflag:s1] =	ssyncadd.s32 @!p3 $0xFFFFFF80;
	s1 =	simm.s32 @!p3 $0xA  }
0x1fa: {  	[spmem:s5] =	stream.indirect.scatter.add.f32 @!p3 [tilespmem:s19], [sflag:$0xA], $0x80, s9, s8, $0xb8;
	[tilespmem:$0x1FB80] =	vst v63  }
0x1fb: {  	_ =	swait.ge @!p3 [sflag:s1], $0x4000  }
0x1fc: {  	s20 =	sadd.s32 @!p3 s15, s11;
	[sflag:s1] =	ssyncset.done @!p3 $0x0  }
0x1fd: {  	s20 =	sadd.s32 @!p3 $0x400, s20;
	[sflag:s1] =	ssyncadd.s32 @!p3 $0xFFFFC000;
	s1 =	simm.s32 @!p3 $0x2  }
0x1fe: {  	[tilespmem:s9], [sflag:$0x5] =	stream.linear.gather @!p3 [hbm4b:s20+s7], $0x80, $0x38;
	[tilespmem:$0x1FB80] =	vst v63  }
0x1ff: {  	p2 =	sge.u32 s16, s30;
	_ =	swait.ge @!p3 [sflag:s1], $0x80  }
0x200: {  	s7 =	sadd.s32 @!p2 s16, s4;
	[sflag:s1] =	ssyncset.done @!p3 $0x0  }
0x201: {  	s7 =	sadd.s32 @!p2 $0x50, s7;
	[sflag:s1] =	ssyncadd.s32 @!p3 $0xFFFFFF80;
	s1 =	simm.s32 @!p2 $0x9  }
0x202: {  	[tilespmem:s19], [sflag:$0x8] =	stream.indirect.gather @!p3 [hbm4b:s0+s8], $0x80, s8, s8, $0xb8;
	[tilespmem:$0x1FB80] =	vst v63  }
0x203: {  	p3 =	sgt.u32 @!p2 s7, $0x9C3;
	_ =	swait.ge @!p2 [sflag:s1], $0x4000  }
0x204: {  	p4 =	por !p3, p2;
	[sflag:s1] =	ssyncset.done @!p2 $0x0  }
0x205: {  	[sflag:s1] =	ssyncadd.s32 @!p2 $0xFFFFC000;
	s1 =	simm.s32 @!p4 $0x6  }
0x206: {  	p3 =	por p3, p2;
	_ =	swait.ge @!p4 [sflag:s1], $0x80  }
0x207: {  	s7 =	simm.s32 @!p4 $0x8300;
	s8 =	simm.s32 @!p4 $0x80;
	[sflag:s1] =	ssyncset.done @!p4 $0x0  }
0x208: {  	s9 =	simm.s32 @!p4 $0x280;
	[sflag:s1] =	ssyncadd.s32 @!p4 $0xFFFFFF80;
	s1 =	simm.s32 @!p4 $0xA  }
0x209: {  	[spmem:s5] =	stream.indirect.scatter.add.f32 @!p4 [tilespmem:s7], [sflag:$0xA], $0x80, s9, s8, $0xb8;
	[tilespmem:$0x1FB80] =	vst v63  }
0x20a: {  	s7 =	sadd.s32 @!p3 s15, s10;
	_ =	swait.ge @!p4 [sflag:s1], $0x4000  }
0x20b: {  	s8 =	simm.s32 @!p3 $0x100;
	s9 =	simm.s32 @!p3 $0x0;
	[sflag:s1] =	ssyncset.done @!p4 $0x0  }
0x20c: {  	s7 =	sadd.s32 @!p3 $0x500, s7;
	[sflag:s1] =	ssyncadd.s32 @!p4 $0xFFFFC000;
	s1 =	simm.s32 @!p3 $0x6  }
0x20d: {  	[tilespmem:s8], [sflag:$0x3] =	stream.linear.gather @!p3 [hbm4b:s7+s9], $0x80, $0x38;
	[tilespmem:$0x1FB80] =	vst v63  }
0x20e: {  	_ =	swait.ge @!p3 [sflag:s1], $0x80  }
0x20f: {  	s16 =	simm.s32 @!p3 $0x80;
	s19 =	simm.s32 @!p3 $0x280;
	[sflag:s1] =	ssyncset.done @!p3 $0x0  }
0x210: {  	s7 =	simm.s32 @!p3 $0x8300;
	[sflag:s1] =	ssyncadd.s32 @!p3 $0xFFFFFF80;
	s1 =	simm.s32 @!p3 $0xA  }
0x211: {  	[spmem:s5] =	stream.indirect.scatter.add.f32 @!p3 [tilespmem:s7], [sflag:$0xA], $0x80, s19, s16, $0xb8;
	[tilespmem:$0x1FB80] =	vst v63  }
0x212: {  	_ =	swait.ge @!p3 [sflag:s1], $0x4000  }
0x213: {  	s15 =	sadd.s32 @!p3 s15, s11;
	[sflag:s1] =	ssyncset.done @!p3 $0x0  }
0x214: {  	s20 =	simm.s32 @!p3 $0x3;
	s15 =	sadd.s32 @!p3 $0x500, s15;
	[sflag:s1] =	ssyncadd.s32 @!p3 $0xFFFFC000  }
0x215: {  	[tilespmem:s19], [sflag:$0x6] =	stream.linear.gather @!p3 [hbm4b:s15+s9], $0x80, $0x38;
	[tilespmem:$0x1FB80] =	vst v63  }
0x216: {  	_ =	swait.ge @!p3 [sflag:s20], $0x80  }
0x217: {  	[sflag:s20] =	ssyncset.done @!p3 $0x0  }
0x218: {  	[sflag:s20] =	ssyncadd.s32 @!p3 $0xFFFFFF80  }
0x219: {  	[tilespmem:s7], [sflag:$0x9] =	stream.indirect.gather @!p3 [hbm4b:s0+s16], $0x80, s8, s16, $0xb8;
	[tilespmem:$0x1FB80] =	vst v63  }
0x21a: {  	[bflag:$0x0] =	sbarrier.arrive $0xFFFF  }
0x21b: {  	s24 =	rddreg [dreg:$0x10]  }
0x21c: {  	[hbm:s24], [sflag:s25] =	dma.local [spmem:s14], $0x2700  }
0x21d: {  	_ =	swait.ge [sflag:s31], $0x2700  }
0x21e: {  	s26 =	sld [smem:$0x7FD];
	_ =	sdelay $0x2  }
0x21f: {  	p2 =	seq.s32 s26, $0x1  }
.Ltmp7:
0x220: {  	_ = 	snop;
	(pc) =	sbr.rel @p2 .LBB2_8-.Ltmp7, $4  }
.Ltmp8:
0x221: {  	_ = 	snop;
	(pc) =	sbr.rel @!p2 .LBB2_9-.Ltmp8, $4  }
0x222: {  	[sflag:s31] =	ssyncset.done $0x0  }
0x223: {  	[sflag:s31] =	ssyncadd.s32 $0xFFFFD900  }
0x224: {  	s1 =	rddreg [dreg:$0x5]  }
0x225: {  	_ = 	snop  }
.LBB2_10:
0x226: {  	_ =	sfence.sel $0x180000  }
0x227: {  	[bflag:$0x0] =	sbarrier.arrive $0xFFFF  }
0x228: {  	_ =	strace $0x90000047  }
0x229: {  	[bflag:$0x2] =	sbarrier.arrive $0xFFFF  }
0x22a: {  	p0 =	sne.s32 s4, $0x0;
	s0 =	rddreg [dreg:$0x8]  }
0x22b: {  	s0 =	sadd.s32 @!p0 $0x100000, s0  }
0x22c: {  	[sflag:s0] =	ssyncadd.tile.s32 @!p0 $0x1;
	_ =	shalt  }
.Lfunc_end2:
_tile_overlayer_lowered:
.L_overlay_start_2:
0x22d: {  	(tag) =	ssettag $0x2  }
0x22e: {  	s0 =	rddreg [dreg:$0x0];
	s2 =	stileid.u32  }
0x22f: {  	s1 =	rddreg [dreg:$0x1];
	p0 =	sne.s32 s2, $0x0  }
0x230: {  	s3 =	rddreg [dreg:$0x2];
	[bflag:$0x3] =	sbarrier.arrive $0xFFFF;
	s2 =	simm.s32 @!p0 $0x1C0A  }
0x231: {  	[timem:s3], [sflag:s2] =	dma.local @!p0 [hbm:s0], s1  }
0x232: {  	s0 =	simm.s32 @!p0 $0xA  }
0x233: {  	_ =	swait.ge @!p0 [sflag:s0], s1  }
0x234: {  	s1 =	ssub.s32 @!p0 $0x0, s1;
	[sflag:s0] =	ssyncset.done @!p0 $0x0  }
0x235: {  	[sflag:s0] =	ssyncadd.s32 @!p0 s1  }
0x236: {  	[bflag:$0x3] =	sbarrier.arrive $0xFFFF  }
0x237: {  	_ =	shalt  }

</sc_bundles>
